<compile_context>
chip_gen: v7x
topology: tpu7x:2x2x1
jax: 0.10.2.dev20260603
libtpu: 0.0.44.dev20260713+nightly
codegen_flags: <defaults>
</compile_context>

<pallas_src>
import functools

import jax
import jax.numpy as jnp
from jax import lax
from jax.experimental import pallas as pl
from jax.experimental.pallas import tpu as pltpu
from jax.experimental.pallas import tpu_sc as plsc

EMB = 128
LANES = 16
NCORES = 2
NSUB = 16
NW = NCORES * NSUB
BATCH = 16384
BPW = BATCH // NW
CHUNK = 64
NCHUNK = BPW // CHUNK
NPAIR = NCHUNK // 2
GROUPS = CHUNK // LANES

_mesh = plsc.VectorSubcoreMesh(core_axis_name="c", subcore_axis_name="s")


@functools.partial(
    pl.kernel,
    out_type=jax.ShapeDtypeStruct((BATCH,), jnp.float32),
    mesh=_mesh,
    compiler_params=pltpu.CompilerParams(needs_layout_passes=False),
    scratch_types=[
        pltpu.VMEM((BPW,), jnp.int32),
        pltpu.VMEM((BPW,), jnp.int32),
        pltpu.VMEM((CHUNK, EMB), jnp.float32),
        pltpu.VMEM((CHUNK, EMB), jnp.float32),
        pltpu.VMEM((CHUNK, EMB), jnp.float32),
        pltpu.VMEM((CHUNK, EMB), jnp.float32),
        pltpu.VMEM((BPW,), jnp.float32),
        pltpu.VMEM((LANES,), jnp.float32),
        pltpu.SemaphoreType.DMA,
        pltpu.SemaphoreType.DMA,
    ],
)
def _bpr_sc(uids_hbm, iids_hbm, uemb_hbm, iemb_hbm, bias_hbm, out_hbm,
            uidx, iidx, urows0, urows1, irows0, irows1, outb, biasb,
            sem0, sem1):
    wid = lax.axis_index("s") * NCORES + lax.axis_index("c")
    base = wid * BPW
    cp_b = pltpu.async_copy(bias_hbm, biasb, sem0)
    cp_u = pltpu.async_copy(uids_hbm.at[pl.ds(base, BPW)], uidx, sem0)
    cp_i = pltpu.async_copy(iids_hbm.at[pl.ds(base, BPW)], iidx, sem0)
    cp_b.wait()
    cp_u.wait()
    cp_i.wait()
    bias_vec = biasb[...]
    row_iota = lax.iota(jnp.int32, LANES)

    bufs = [(urows0, irows0, sem0), (urows1, irows1, sem1)]

    def gathers(c, p):
        ub, ib, sem = bufs[p]
        return (
            pltpu.make_async_copy(
                uemb_hbm.at[uidx.at[pl.ds(c * CHUNK, CHUNK)]], ub, sem),
            pltpu.make_async_copy(
                iemb_hbm.at[iidx.at[pl.ds(c * CHUNK, CHUNK)]], ib, sem),
        )

    for cp in gathers(0, 0) + gathers(1, 1):
        cp.start()

    def pair_body(t, _):
        for p in range(2):
            c = 2 * t + p
            urows, irows, _ = bufs[p]
            for cp in gathers(c, p):
                cp.wait()

            @plsc.parallel_loop(0, GROUPS)
            def _(g, urows=urows, irows=irows, c=c):
                def quad_body(q, ov, g=g, urows=urows, irows=irows):
                    for k in range(4):
                        row = g * LANES + q * 4 + k
                        a = (urows[row, pl.ds(0, LANES)]
                             * irows[row, pl.ds(0, LANES)])
                        for j in range(1, EMB // LANES):
                            a = a + (urows[row, pl.ds(j * LANES, LANES)]
                                     * irows[row, pl.ds(j * LANES, LANES)])
                        ov = jnp.where(row_iota == q * 4 + k,
                                       ov + jnp.sum(a), ov)
                    return ov

                ov = lax.fori_loop(0, 4, quad_body, bias_vec)
                outb[pl.ds(c * CHUNK + g * LANES, LANES)] = ov

            @pl.when(t < NPAIR - 1)
            def _():
                for cp in gathers(c + 2, p):
                    cp.start()

        return 0

    lax.fori_loop(0, NPAIR, pair_body, 0)
    pltpu.sync_copy(outb, out_hbm.at[pl.ds(base, BPW)])


def kernel(user_ids, item_ids, user_emb, item_emb, global_bias):
    bias_vec = jnp.full((LANES,), global_bias, dtype=jnp.float32)
    return _bpr_sc(user_ids, item_ids, user_emb, item_emb, bias_vec)

# --- scband reference (transcript-rebuilt; emitter-appended) ---
"""Pipeline reference for scband-bpr-2181843387127 (READ-ONLY COPY).

The authoritative reference and input builder live on the scoring server;
editing this copy changes nothing except your own understanding.
"""

import jax, jax.numpy as jnp
import numpy as np

EMB_SIZE = 128
USER_NUM = 1000000
ITEM_NUM = 1000000
CLICK_NUM = 50000000
BATCH = 16384


def setup_inputs(seed: int = 0) -> dict:
    key = jax.random.key(seed)
    k1, k2, k3, k4 = jax.random.split(key, 4)
    user_ids = jax.random.randint(k1, (BATCH,), 0, USER_NUM, dtype=jnp.int64 if jax.config.jax_enable_x64 else jnp.int32).astype(jnp.int32)
    item_ids = jax.random.randint(k2, (BATCH,), 0, ITEM_NUM, dtype=jnp.int32)
    user_emb = jax.random.normal(k3, (USER_NUM, EMB_SIZE), dtype=jnp.float32) * 0.01
    item_emb = jax.random.normal(k4, (ITEM_NUM, EMB_SIZE), dtype=jnp.float32) * 0.01
    global_bias = jnp.asarray(CLICK_NUM / USER_NUM / ITEM_NUM, dtype=jnp.float32)
    return {"user_ids": user_ids, "item_ids": item_ids, "user_emb": user_emb, "item_emb": item_emb, "global_bias": global_bias}


def reference(user_ids, item_ids, user_emb, item_emb, global_bias):
    user_embs = jnp.take(user_emb, user_ids, axis=0)
    item_embs = jnp.take(item_emb, item_ids, axis=0)
    scores = jnp.sum(user_embs * item_embs, axis=1) + global_bias
    return scores

if __name__ == "__main__":
    import jax
    _d = setup_inputs()
    print(jax.jit(kernel)(*tuple(_d.values())))

</pallas_src>

<mosaic_0001>
#map = affine_map<(d0, d1) -> (0)>
#map1 = affine_map<(d0, d1) -> (0, 0)>
module attributes {stable_mosaic.version = 14 : i64} {
  func.func @_bpr_sc(%arg0: i32, %arg1: i32, %arg2: memref<16384xi32, #tpu.memory_space<hbm>>, %arg3: memref<16384xi32, #tpu.memory_space<hbm>>, %arg4: memref<1000000x128xf32, #tpu.memory_space<hbm>>, %arg5: memref<1000000x128xf32, #tpu.memory_space<hbm>>, %arg6: memref<16xf32, #tpu.memory_space<hbm>>, %arg7: memref<16384xf32, #tpu.memory_space<hbm>>, %arg8: memref<512xi32, #tpu.memory_space<vmem>>, %arg9: memref<512xi32, #tpu.memory_space<vmem>>, %arg10: memref<64x128xf32, #tpu.memory_space<vmem>>, %arg11: memref<64x128xf32, #tpu.memory_space<vmem>>, %arg12: memref<64x128xf32, #tpu.memory_space<vmem>>, %arg13: memref<64x128xf32, #tpu.memory_space<vmem>>, %arg14: memref<512xf32, #tpu.memory_space<vmem>>, %arg15: memref<16xf32, #tpu.memory_space<vmem>>, %arg16: memref<!tpu.dma_semaphore, #tpu.memory_space<semaphore_mem>>, %arg17: memref<!tpu.dma_semaphore, #tpu.memory_space<semaphore_mem>>) attributes {dimension_semantics = [#tpu.dimension_semantics<core_parallel>, #tpu.dimension_semantics<subcore_parallel>], iteration_bounds = array<i64: 2, 16>, scalar_prefetch = 0 : i64, scratch_operands = 10 : i64, tpu.core_type = #tpu.core_type<sc_vector_subcore>, window_params = [{transform_indices = #map}, {transform_indices = #map}, {transform_indices = #map1}, {transform_indices = #map1}, {transform_indices = #map}, {transform_indices = #map}]} {
    %mul3A = arith.constant 2 : i32
    %mul3A_0 = arith.muli %arg1, %mul3A : i32
    %add3A = arith.addi %mul3A_0, %arg0 : i32
    %mul3A_1 = arith.constant 512 : i32
    %mul3A_2 = arith.muli %add3A, %mul3A_1 : i32
    tpu.enqueue_dma source(%arg6 : memref<16xf32, #tpu.memory_space<hbm>>) target(%arg15 : memref<16xf32, #tpu.memory_space<vmem>>) target_semaphore(%arg16 : memref<!tpu.dma_semaphore, #tpu.memory_space<semaphore_mem>>)
    %dma_start3A = tpu.memref_slice %arg2[%mul3A_2] : memref<16384xi32, #tpu.memory_space<hbm>> -> memref<512xi32, #tpu.memory_space<hbm>>
    %dma_start3A_3 = tpu.memref_slice %arg2[%mul3A_2] : memref<16384xi32, #tpu.memory_space<hbm>> -> memref<512xi32, #tpu.memory_space<hbm>>
    tpu.enqueue_dma source(%dma_start3A_3 : memref<512xi32, #tpu.memory_space<hbm>>) target(%arg8 : memref<512xi32, #tpu.memory_space<vmem>>) target_semaphore(%arg16 : memref<!tpu.dma_semaphore, #tpu.memory_space<semaphore_mem>>)
    %dma_start3A_4 = tpu.memref_slice %arg3[%mul3A_2] : memref<16384xi32, #tpu.memory_space<hbm>> -> memref<512xi32, #tpu.memory_space<hbm>>
    %dma_start3A_5 = tpu.memref_slice %arg3[%mul3A_2] : memref<16384xi32, #tpu.memory_space<hbm>> -> memref<512xi32, #tpu.memory_space<hbm>>
    tpu.enqueue_dma source(%dma_start3A_5 : memref<512xi32, #tpu.memory_space<hbm>>) target(%arg9 : memref<512xi32, #tpu.memory_space<vmem>>) target_semaphore(%arg16 : memref<!tpu.dma_semaphore, #tpu.memory_space<semaphore_mem>>)
    tpu.wait_dma2 semaphore(%arg16 : memref<!tpu.dma_semaphore, #tpu.memory_space<semaphore_mem>>) src(%arg6 : memref<16xf32, #tpu.memory_space<hbm>>) dst(%arg15 : memref<16xf32, #tpu.memory_space<vmem>>)
    %dma_wait3A = tpu.memref_slice %arg2[%mul3A_2] : memref<16384xi32, #tpu.memory_space<hbm>> -> memref<512xi32, #tpu.memory_space<hbm>>
    %dma_wait3A_6 = tpu.memref_slice %arg2[%mul3A_2] : memref<16384xi32, #tpu.memory_space<hbm>> -> memref<512xi32, #tpu.memory_space<hbm>>
    tpu.wait_dma2 semaphore(%arg16 : memref<!tpu.dma_semaphore, #tpu.memory_space<semaphore_mem>>) src(%dma_wait3A_6 : memref<512xi32, #tpu.memory_space<hbm>>) dst(%arg8 : memref<512xi32, #tpu.memory_space<vmem>>)
    %dma_wait3A_7 = tpu.memref_slice %arg3[%mul3A_2] : memref<16384xi32, #tpu.memory_space<hbm>> -> memref<512xi32, #tpu.memory_space<hbm>>
    %dma_wait3A_8 = tpu.memref_slice %arg3[%mul3A_2] : memref<16384xi32, #tpu.memory_space<hbm>> -> memref<512xi32, #tpu.memory_space<hbm>>
    tpu.wait_dma2 semaphore(%arg16 : memref<!tpu.dma_semaphore, #tpu.memory_space<semaphore_mem>>) src(%dma_wait3A_8 : memref<512xi32, #tpu.memory_space<hbm>>) dst(%arg9 : memref<512xi32, #tpu.memory_space<vmem>>)
    %get3A = arith.constant 0 : index
    %get3A_9 = tpu.vector_load %arg15[%get3A] {strides = array<i32>} : memref<16xf32, #tpu.memory_space<vmem>>, vector<16xf32>,
    %iota3A = tpu.iota {dimensions = array<i32: 0>} : vector<16xi32>
    %dma_start3A_10 = arith.constant 0 : i32
    %dma_start3A_11 = tpu.memref_slice %arg8[%dma_start3A_10] : memref<512xi32, #tpu.memory_space<vmem>> -> memref<64xi32, #tpu.memory_space<vmem>>
    %dma_start3A_12 = arith.constant 0 : i32
    %dma_start3A_13 = arith.constant 0 : i32
    %dma_start3A_14 = tpu.memref_slice %arg4[%dma_start3A_12, %dma_start3A_13] : memref<1000000x128xf32, #tpu.memory_space<hbm>> -> memref<1000000x128xf32, #tpu.memory_space<hbm>>
    tpu.enqueue_indirect_dma source(%dma_start3A_14 : memref<1000000x128xf32, #tpu.memory_space<hbm>>) target(%arg10 : memref<64x128xf32, #tpu.memory_space<vmem>>) offsets(%dma_start3A_11 : memref<64xi32, #tpu.memory_space<vmem>>) semaphore(%arg16 : memref<!tpu.dma_semaphore, #tpu.memory_space<semaphore_mem>>)
    %dma_start3A_15 = arith.constant 0 : i32
    %dma_start3A_16 = tpu.memref_slice %arg9[%dma_start3A_15] : memref<512xi32, #tpu.memory_space<vmem>> -> memref<64xi32, #tpu.memory_space<vmem>>
    %dma_start3A_17 = arith.constant 0 : i32
    %dma_start3A_18 = arith.constant 0 : i32
    %dma_start3A_19 = tpu.memref_slice %arg5[%dma_start3A_17, %dma_start3A_18] : memref<1000000x128xf32, #tpu.memory_space<hbm>> -> memref<1000000x128xf32, #tpu.memory_space<hbm>>
    tpu.enqueue_indirect_dma source(%dma_start3A_19 : memref<1000000x128xf32, #tpu.memory_space<hbm>>) target(%arg12 : memref<64x128xf32, #tpu.memory_space<vmem>>) offsets(%dma_start3A_16 : memref<64xi32, #tpu.memory_space<vmem>>) semaphore(%arg16 : memref<!tpu.dma_semaphore, #tpu.memory_space<semaphore_mem>>)
    %dma_start3A_20 = arith.constant 64 : i32
    %dma_start3A_21 = tpu.memref_slice %arg8[%dma_start3A_20] : memref<512xi32, #tpu.memory_space<vmem>> -> memref<64xi32, #tpu.memory_space<vmem>>
    %dma_start3A_22 = arith.constant 0 : i32
    %dma_start3A_23 = arith.constant 0 : i32
    %dma_start3A_24 = tpu.memref_slice %arg4[%dma_start3A_22, %dma_start3A_23] : memref<1000000x128xf32, #tpu.memory_space<hbm>> -> memref<1000000x128xf32, #tpu.memory_space<hbm>>
    tpu.enqueue_indirect_dma source(%dma_start3A_24 : memref<1000000x128xf32, #tpu.memory_space<hbm>>) target(%arg11 : memref<64x128xf32, #tpu.memory_space<vmem>>) offsets(%dma_start3A_21 : memref<64xi32, #tpu.memory_space<vmem>>) semaphore(%arg17 : memref<!tpu.dma_semaphore, #tpu.memory_space<semaphore_mem>>)
    %dma_start3A_25 = arith.constant 64 : i32
    %dma_start3A_26 = tpu.memref_slice %arg9[%dma_start3A_25] : memref<512xi32, #tpu.memory_space<vmem>> -> memref<64xi32, #tpu.memory_space<vmem>>
    %dma_start3A_27 = arith.constant 0 : i32
    %dma_start3A_28 = arith.constant 0 : i32
    %dma_start3A_29 = tpu.memref_slice %arg5[%dma_start3A_27, %dma_start3A_28] : memref<1000000x128xf32, #tpu.memory_space<hbm>> -> memref<1000000x128xf32, #tpu.memory_space<hbm>>
    tpu.enqueue_indirect_dma source(%dma_start3A_29 : memref<1000000x128xf32, #tpu.memory_space<hbm>>) target(%arg13 : memref<64x128xf32, #tpu.memory_space<vmem>>) offsets(%dma_start3A_26 : memref<64xi32, #tpu.memory_space<vmem>>) semaphore(%arg17 : memref<!tpu.dma_semaphore, #tpu.memory_space<semaphore_mem>>)
    %scan3A = arith.constant 0 : i32
    %scan3A_30 = arith.constant 0 : i32
    %scan3A_31 = arith.constant 4 : i32
    %scan3A_32 = arith.addi %scan3A_30, %scan3A_31 : i32
    %scan3A_33 = arith.constant 1 : i32
    %scan3A_34 = scf.for %scan3A_36 = %scan3A_30 to %scan3A_32 step %scan3A_33 iter_args(%scan3A_37 = %scan3A) -> (i32)  : i32 {
      %mul3A_38 = arith.constant 2 : i32
      %mul3A_39 = arith.muli %mul3A_38, %scan3A_36 : i32
      %add3A_40 = arith.constant 0 : i32
      %add3A_41 = arith.addi %mul3A_39, %add3A_40 : i32
      %mul3A_42 = arith.constant 64 : i32
      %mul3A_43 = arith.muli %add3A_41, %mul3A_42 : i32
      %mul3A_44 = arith.constant 64 : i32
      %mul3A_45 = arith.muli %add3A_41, %mul3A_44 : i32
      %dma_wait3A_46 = tpu.memref_slice %arg8[%mul3A_43] : memref<512xi32, #tpu.memory_space<vmem>> -> memref<64xi32, #tpu.memory_space<vmem>>
      %dma_wait3A_47 = arith.constant 0 : i32
      %dma_wait3A_48 = arith.constant 0 : i32
      %dma_wait3A_49 = tpu.memref_slice %arg4[%dma_wait3A_47, %dma_wait3A_48] : memref<1000000x128xf32, #tpu.memory_space<hbm>> -> memref<1000000x128xf32, #tpu.memory_space<hbm>>
      tpu.wait_indirect_dma semaphore(%arg16 : memref<!tpu.dma_semaphore, #tpu.memory_space<semaphore_mem>>) src(%dma_wait3A_49 : memref<1000000x128xf32, #tpu.memory_space<hbm>>) dst(%arg10 : memref<64x128xf32, #tpu.memory_space<vmem>>)
      %dma_wait3A_50 = tpu.memref_slice %arg9[%mul3A_45] : memref<512xi32, #tpu.memory_space<vmem>> -> memref<64xi32, #tpu.memory_space<vmem>>
      %dma_wait3A_51 = arith.constant 0 : i32
      %dma_wait3A_52 = arith.constant 0 : i32
      %dma_wait3A_53 = tpu.memref_slice %arg5[%dma_wait3A_51, %dma_wait3A_52] : memref<1000000x128xf32, #tpu.memory_space<hbm>> -> memref<1000000x128xf32, #tpu.memory_space<hbm>>
      tpu.wait_indirect_dma semaphore(%arg16 : memref<!tpu.dma_semaphore, #tpu.memory_space<semaphore_mem>>) src(%dma_wait3A_53 : memref<1000000x128xf32, #tpu.memory_space<hbm>>) dst(%arg12 : memref<64x128xf32, #tpu.memory_space<vmem>>)
      %parallel_loop3A = arith.constant 0 : i32
      %parallel_loop3A_54 = arith.constant 4 : i32
      %parallel_loop3A_55 = arith.constant 1 : i32
      scf.for %parallel_loop3A_83 = %parallel_loop3A to %parallel_loop3A_54 step %parallel_loop3A_55  : i32 {
        %parallel_loop3A_84 = arith.constant 0 : i32
        %parallel_loop3A_85 = arith.constant 4 : i32
        %parallel_loop3A_86 = arith.addi %parallel_loop3A_84, %parallel_loop3A_85 : i32
        %parallel_loop3A_87 = arith.constant 1 : i32
        %parallel_loop3A_88 = scf.for %scan3A_97 = %parallel_loop3A_84 to %parallel_loop3A_86 step %parallel_loop3A_87 iter_args(%scan3A_98 = %get3A_9) -> (vector<16xf32>)  : i32 {
          %parallel_loop3A_99 = arith.constant 16 : i32
          %parallel_loop3A_100 = arith.muli %parallel_loop3A_83, %parallel_loop3A_99 : i32
          %parallel_loop3A_101 = arith.constant 4 : i32
          %parallel_loop3A_102 = arith.muli %scan3A_97, %parallel_loop3A_101 : i32
          %parallel_loop3A_103 = arith.addi %parallel_loop3A_100, %parallel_loop3A_102 : i32
          %parallel_loop3A_104 = arith.constant 0 : i32
          %parallel_loop3A_105 = arith.addi %parallel_loop3A_103, %parallel_loop3A_104 : i32
          %parallel_loop3A_106 = arith.index_cast %parallel_loop3A_105 : i32 to index
          %parallel_loop3A_107 = arith.constant 0 : index
          %parallel_loop3A_108 = tpu.vector_load %arg10[%parallel_loop3A_106, %parallel_loop3A_107] {strides = array<i32>} : memref<64x128xf32, #tpu.memory_space<vmem>>, vector<16xf32>,
          %parallel_loop3A_109 = arith.index_cast %parallel_loop3A_105 : i32 to index
          %parallel_loop3A_110 = arith.constant 0 : index
          %parallel_loop3A_111 = tpu.vector_load %arg12[%parallel_loop3A_109, %parallel_loop3A_110] {strides = array<i32>} : memref<64x128xf32, #tpu.memory_space<vmem>>, vector<16xf32>,
          %parallel_loop3A_112 = arith.mulf %parallel_loop3A_108, %parallel_loop3A_111 : vector<16xf32>
          %parallel_loop3A_113 = arith.index_cast %parallel_loop3A_105 : i32 to index
          %parallel_loop3A_114 = arith.constant 16 : index
          %parallel_loop3A_115 = tpu.vector_load %arg10[%parallel_loop3A_113, %parallel_loop3A_114] {strides = array<i32>} : memref<64x128xf32, #tpu.memory_space<vmem>>, vector<16xf32>,
          %parallel_loop3A_116 = arith.index_cast %parallel_loop3A_105 : i32 to index
          %parallel_loop3A_117 = arith.constant 16 : index
          %parallel_loop3A_118 = tpu.vector_load %arg12[%parallel_loop3A_116, %parallel_loop3A_117] {strides = array<i32>} : memref<64x128xf32, #tpu.memory_space<vmem>>, vector<16xf32>,
          %parallel_loop3A_119 = arith.mulf %parallel_loop3A_115, %parallel_loop3A_118 : vector<16xf32>
          %parallel_loop3A_120 = arith.addf %parallel_loop3A_112, %parallel_loop3A_119 : vector<16xf32>
          %parallel_loop3A_121 = arith.index_cast %parallel_loop3A_105 : i32 to index
          %parallel_loop3A_122 = arith.constant 32 : index
          %parallel_loop3A_123 = tpu.vector_load %arg10[%parallel_loop3A_121, %parallel_loop3A_122] {strides = array<i32>} : memref<64x128xf32, #tpu.memory_space<vmem>>, vector<16xf32>,
          %parallel_loop3A_124 = arith.index_cast %parallel_loop3A_105 : i32 to index
          %parallel_loop3A_125 = arith.constant 32 : index
          %parallel_loop3A_126 = tpu.vector_load %arg12[%parallel_loop3A_124, %parallel_loop3A_125] {strides = array<i32>} : memref<64x128xf32, #tpu.memory_space<vmem>>, vector<16xf32>,
          %parallel_loop3A_127 = arith.mulf %parallel_loop3A_123, %parallel_loop3A_126 : vector<16xf32>
          %parallel_loop3A_128 = arith.addf %parallel_loop3A_120, %parallel_loop3A_127 : vector<16xf32>
          %parallel_loop3A_129 = arith.index_cast %parallel_loop3A_105 : i32 to index
          %parallel_loop3A_130 = arith.constant 48 : index
          %parallel_loop3A_131 = tpu.vector_load %arg10[%parallel_loop3A_129, %parallel_loop3A_130] {strides = array<i32>} : memref<64x128xf32, #tpu.memory_space<vmem>>, vector<16xf32>,
          %parallel_loop3A_132 = arith.index_cast %parallel_loop3A_105 : i32 to index
          %parallel_loop3A_133 = arith.constant 48 : index
          %parallel_loop3A_134 = tpu.vector_load %arg12[%parallel_loop3A_132, %parallel_loop3A_133] {strides = array<i32>} : memref<64x128xf32, #tpu.memory_space<vmem>>, vector<16xf32>,
          %parallel_loop3A_135 = arith.mulf %parallel_loop3A_131, %parallel_loop3A_134 : vector<16xf32>
          %parallel_loop3A_136 = arith.addf %parallel_loop3A_128, %parallel_loop3A_135 : vector<16xf32>
          %parallel_loop3A_137 = arith.index_cast %parallel_loop3A_105 : i32 to index
          %parallel_loop3A_138 = arith.constant 64 : index
          %parallel_loop3A_139 = tpu.vector_load %arg10[%parallel_loop3A_137, %parallel_loop3A_138] {strides = array<i32>} : memref<64x128xf32, #tpu.memory_space<vmem>>, vector<16xf32>,
          %parallel_loop3A_140 = arith.index_cast %parallel_loop3A_105 : i32 to index
          %parallel_loop3A_141 = arith.constant 64 : index
          %parallel_loop3A_142 = tpu.vector_load %arg12[%parallel_loop3A_140, %parallel_loop3A_141] {strides = array<i32>} : memref<64x128xf32, #tpu.memory_space<vmem>>, vector<16xf32>,
          %parallel_loop3A_143 = arith.mulf %parallel_loop3A_139, %parallel_loop3A_142 : vector<16xf32>
          %parallel_loop3A_144 = arith.addf %parallel_loop3A_136, %parallel_loop3A_143 : vector<16xf32>
          %parallel_loop3A_145 = arith.index_cast %parallel_loop3A_105 : i32 to index
          %parallel_loop3A_146 = arith.constant 80 : index
          %parallel_loop3A_147 = tpu.vector_load %arg10[%parallel_loop3A_145, %parallel_loop3A_146] {strides = array<i32>} : memref<64x128xf32, #tpu.memory_space<vmem>>, vector<16xf32>,
          %parallel_loop3A_148 = arith.index_cast %parallel_loop3A_105 : i32 to index
          %parallel_loop3A_149 = arith.constant 80 : index
          %parallel_loop3A_150 = tpu.vector_load %arg12[%parallel_loop3A_148, %parallel_loop3A_149] {strides = array<i32>} : memref<64x128xf32, #tpu.memory_space<vmem>>, vector<16xf32>,
          %parallel_loop3A_151 = arith.mulf %parallel_loop3A_147, %parallel_loop3A_150 : vector<16xf32>
          %parallel_loop3A_152 = arith.addf %parallel_loop3A_144, %parallel_loop3A_151 : vector<16xf32>
          %parallel_loop3A_153 = arith.index_cast %parallel_loop3A_105 : i32 to index
          %parallel_loop3A_154 = arith.constant 96 : index
          %parallel_loop3A_155 = tpu.vector_load %arg10[%parallel_loop3A_153, %parallel_loop3A_154] {strides = array<i32>} : memref<64x128xf32, #tpu.memory_space<vmem>>, vector<16xf32>,
          %parallel_loop3A_156 = arith.index_cast %parallel_loop3A_105 : i32 to index
          %parallel_loop3A_157 = arith.constant 96 : index
          %parallel_loop3A_158 = tpu.vector_load %arg12[%parallel_loop3A_156, %parallel_loop3A_157] {strides = array<i32>} : memref<64x128xf32, #tpu.memory_space<vmem>>, vector<16xf32>,
          %parallel_loop3A_159 = arith.mulf %parallel_loop3A_155, %parallel_loop3A_158 : vector<16xf32>
          %parallel_loop3A_160 = arith.addf %parallel_loop3A_152, %parallel_loop3A_159 : vector<16xf32>
          %parallel_loop3A_161 = arith.index_cast %parallel_loop3A_105 : i32 to index
          %parallel_loop3A_162 = arith.constant 112 : index
          %parallel_loop3A_163 = tpu.vector_load %arg10[%parallel_loop3A_161, %parallel_loop3A_162] {strides = array<i32>} : memref<64x128xf32, #tpu.memory_space<vmem>>, vector<16xf32>,
          %parallel_loop3A_164 = arith.index_cast %parallel_loop3A_105 : i32 to index
          %parallel_loop3A_165 = arith.constant 112 : index
          %parallel_loop3A_166 = tpu.vector_load %arg12[%parallel_loop3A_164, %parallel_loop3A_165] {strides = array<i32>} : memref<64x128xf32, #tpu.memory_space<vmem>>, vector<16xf32>,
          %parallel_loop3A_167 = arith.mulf %parallel_loop3A_163, %parallel_loop3A_166 : vector<16xf32>
          %parallel_loop3A_168 = arith.addf %parallel_loop3A_160, %parallel_loop3A_167 : vector<16xf32>
          %parallel_loop3A_169 = arith.constant 4 : i32
          %parallel_loop3A_170 = arith.muli %scan3A_97, %parallel_loop3A_169 : i32
          %parallel_loop3A_171 = arith.constant 0 : i32
          %parallel_loop3A_172 = arith.addi %parallel_loop3A_170, %parallel_loop3A_171 : i32
          %parallel_loop3A_173 = vector.broadcast %parallel_loop3A_172 : i32 to vector<16xi32>
          %parallel_loop3A_174 = arith.cmpi eq, %iota3A, %parallel_loop3A_173 : vector<16xi32>
          %parallel_loop3A_175 = arith.constant true
          %parallel_loop3A_176 = vector.broadcast %parallel_loop3A_175 : i1 to vector<16xi1>
          %parallel_loop3A_177 = tpu.scan <sum>, %parallel_loop3A_168 masked %parallel_loop3A_176 : vector<16xf32>, vector<16xi1> -> vector<16xf32>
          %parallel_loop3A_178 = vector.extract %parallel_loop3A_177[15] : f32 from vector<16xf32>
          %parallel_loop3A_179 = vector.broadcast %parallel_loop3A_178 : f32 to vector<16xf32>
          %parallel_loop3A_180 = arith.addf %scan3A_98, %parallel_loop3A_179 : vector<16xf32>
          %parallel_loop3A_181 = arith.select %parallel_loop3A_174, %parallel_loop3A_180, %scan3A_98 : vector<16xi1>, vector<16xf32>
          %parallel_loop3A_182 = arith.constant 16 : i32
          %parallel_loop3A_183 = arith.muli %parallel_loop3A_83, %parallel_loop3A_182 : i32
          %parallel_loop3A_184 = arith.constant 4 : i32
          %parallel_loop3A_185 = arith.muli %scan3A_97, %parallel_loop3A_184 : i32
          %parallel_loop3A_186 = arith.addi %parallel_loop3A_183, %parallel_loop3A_185 : i32
          %parallel_loop3A_187 = arith.constant 1 : i32
          %parallel_loop3A_188 = arith.addi %parallel_loop3A_186, %parallel_loop3A_187 : i32
          %parallel_loop3A_189 = arith.index_cast %parallel_loop3A_188 : i32 to index
          %parallel_loop3A_190 = arith.constant 0 : index
          %parallel_loop3A_191 = tpu.vector_load %arg10[%parallel_loop3A_189, %parallel_loop3A_190] {strides = array<i32>} : memref<64x128xf32, #tpu.memory_space<vmem>>, vector<16xf32>,
          %parallel_loop3A_192 = arith.index_cast %parallel_loop3A_188 : i32 to index
          %parallel_loop3A_193 = arith.constant 0 : index
          %parallel_loop3A_194 = tpu.vector_load %arg12[%parallel_loop3A_192, %parallel_loop3A_193] {strides = array<i32>} : memref<64x128xf32, #tpu.memory_space<vmem>>, vector<16xf32>,
          %parallel_loop3A_195 = arith.mulf %parallel_loop3A_191, %parallel_loop3A_194 : vector<16xf32>
          %parallel_loop3A_196 = arith.index_cast %parallel_loop3A_188 : i32 to index
          %parallel_loop3A_197 = arith.constant 16 : index
          %parallel_loop3A_198 = tpu.vector_load %arg10[%parallel_loop3A_196, %parallel_loop3A_197] {strides = array<i32>} : memref<64x128xf32, #tpu.memory_space<vmem>>, vector<16xf32>,
          %parallel_loop3A_199 = arith.index_cast %parallel_loop3A_188 : i32 to index
          %parallel_loop3A_200 = arith.constant 16 : index
          %parallel_loop3A_201 = tpu.vector_load %arg12[%parallel_loop3A_199, %parallel_loop3A_200] {strides = array<i32>} : memref<64x128xf32, #tpu.memory_space<vmem>>, vector<16xf32>,
          %parallel_loop3A_202 = arith.mulf %parallel_loop3A_198, %parallel_loop3A_201 : vector<16xf32>
          %parallel_loop3A_203 = arith.addf %parallel_loop3A_195, %parallel_loop3A_202 : vector<16xf32>
          %parallel_loop3A_204 = arith.index_cast %parallel_loop3A_188 : i32 to index
          %parallel_loop3A_205 = arith.constant 32 : index
          %parallel_loop3A_206 = tpu.vector_load %arg10[%parallel_loop3A_204, %parallel_loop3A_205] {strides = array<i32>} : memref<64x128xf32, #tpu.memory_space<vmem>>, vector<16xf32>,
          %parallel_loop3A_207 = arith.index_cast %parallel_loop3A_188 : i32 to index
          %parallel_loop3A_208 = arith.constant 32 : index
          %parallel_loop3A_209 = tpu.vector_load %arg12[%parallel_loop3A_207, %parallel_loop3A_208] {strides = array<i32>} : memref<64x128xf32, #tpu.memory_space<vmem>>, vector<16xf32>,
          %parallel_loop3A_210 = arith.mulf %parallel_loop3A_206, %parallel_loop3A_209 : vector<16xf32>
          %parallel_loop3A_211 = arith.addf %parallel_loop3A_203, %parallel_loop3A_210 : vector<16xf32>
          %parallel_loop3A_212 = arith.index_cast %parallel_loop3A_188 : i32 to index
          %parallel_loop3A_213 = arith.constant 48 : index
          %parallel_loop3A_214 = tpu.vector_load %arg10[%parallel_loop3A_212, %parallel_loop3A_213] {strides = array<i32>} : memref<64x128xf32, #tpu.memory_space<vmem>>, vector<16xf32>,
          %parallel_loop3A_215 = arith.index_cast %parallel_loop3A_188 : i32 to index
          %parallel_loop3A_216 = arith.constant 48 : index
          %parallel_loop3A_217 = tpu.vector_load %arg12[%parallel_loop3A_215, %parallel_loop3A_216] {strides = array<i32>} : memref<64x128xf32, #tpu.memory_space<vmem>>, vector<16xf32>,
          %parallel_loop3A_218 = arith.mulf %parallel_loop3A_214, %parallel_loop3A_217 : vector<16xf32>
          %parallel_loop3A_219 = arith.addf %parallel_loop3A_211, %parallel_loop3A_218 : vector<16xf32>
          %parallel_loop3A_220 = arith.index_cast %parallel_loop3A_188 : i32 to index
          %parallel_loop3A_221 = arith.constant 64 : index
          %parallel_loop3A_222 = tpu.vector_load %arg10[%parallel_loop3A_220, %parallel_loop3A_221] {strides = array<i32>} : memref<64x128xf32, #tpu.memory_space<vmem>>, vector<16xf32>,
          %parallel_loop3A_223 = arith.index_cast %parallel_loop3A_188 : i32 to index
          %parallel_loop3A_224 = arith.constant 64 : index
          %parallel_loop3A_225 = tpu.vector_load %arg12[%parallel_loop3A_223, %parallel_loop3A_224] {strides = array<i32>} : memref<64x128xf32, #tpu.memory_space<vmem>>, vector<16xf32>,
          %parallel_loop3A_226 = arith.mulf %parallel_loop3A_222, %parallel_loop3A_225 : vector<16xf32>
          %parallel_loop3A_227 = arith.addf %parallel_loop3A_219, %parallel_loop3A_226 : vector<16xf32>
          %parallel_loop3A_228 = arith.index_cast %parallel_loop3A_188 : i32 to index
          %parallel_loop3A_229 = arith.constant 80 : index
          %parallel_loop3A_230 = tpu.vector_load %arg10[%parallel_loop3A_228, %parallel_loop3A_229] {strides = array<i32>} : memref<64x128xf32, #tpu.memory_space<vmem>>, vector<16xf32>,
          %parallel_loop3A_231 = arith.index_cast %parallel_loop3A_188 : i32 to index
          %parallel_loop3A_232 = arith.constant 80 : index
          %parallel_loop3A_233 = tpu.vector_load %arg12[%parallel_loop3A_231, %parallel_loop3A_232] {strides = array<i32>} : memref<64x128xf32, #tpu.memory_space<vmem>>, vector<16xf32>,
          %parallel_loop3A_234 = arith.mulf %parallel_loop3A_230, %parallel_loop3A_233 : vector<16xf32>
          %parallel_loop3A_235 = arith.addf %parallel_loop3A_227, %parallel_loop3A_234 : vector<16xf32>
          %parallel_loop3A_236 = arith.index_cast %parallel_loop3A_188 : i32 to index
          %parallel_loop3A_237 = arith.constant 96 : index
          %parallel_loop3A_238 = tpu.vector_load %arg10[%parallel_loop3A_236, %parallel_loop3A_237] {strides = array<i32>} : memref<64x128xf32, #tpu.memory_space<vmem>>, vector<16xf32>,
          %parallel_loop3A_239 = arith.index_cast %parallel_loop3A_188 : i32 to index
          %parallel_loop3A_240 = arith.constant 96 : index
          %parallel_loop3A_241 = tpu.vector_load %arg12[%parallel_loop3A_239, %parallel_loop3A_240] {strides = array<i32>} : memref<64x128xf32, #tpu.memory_space<vmem>>, vector<16xf32>,
          %parallel_loop3A_242 = arith.mulf %parallel_loop3A_238, %parallel_loop3A_241 : vector<16xf32>
          %parallel_loop3A_243 = arith.addf %parallel_loop3A_235, %parallel_loop3A_242 : vector<16xf32>
          %parallel_loop3A_244 = arith.index_cast %parallel_loop3A_188 : i32 to index
          %parallel_loop3A_245 = arith.constant 112 : index
          %parallel_loop3A_246 = tpu.vector_load %arg10[%parallel_loop3A_244, %parallel_loop3A_245] {strides = array<i32>} : memref<64x128xf32, #tpu.memory_space<vmem>>, vector<16xf32>,
          %parallel_loop3A_247 = arith.index_cast %parallel_loop3A_188 : i32 to index
          %parallel_loop3A_248 = arith.constant 112 : index
          %parallel_loop3A_249 = tpu.vector_load %arg12[%parallel_loop3A_247, %parallel_loop3A_248] {strides = array<i32>} : memref<64x128xf32, #tpu.memory_space<vmem>>, vector<16xf32>,
          %parallel_loop3A_250 = arith.mulf %parallel_loop3A_246, %parallel_loop3A_249 : vector<16xf32>
          %parallel_loop3A_251 = arith.addf %parallel_loop3A_243, %parallel_loop3A_250 : vector<16xf32>
          %parallel_loop3A_252 = arith.constant 4 : i32
          %parallel_loop3A_253 = arith.muli %scan3A_97, %parallel_loop3A_252 : i32
          %parallel_loop3A_254 = arith.constant 1 : i32
          %parallel_loop3A_255 = arith.addi %parallel_loop3A_253, %parallel_loop3A_254 : i32
          %parallel_loop3A_256 = vector.broadcast %parallel_loop3A_255 : i32 to vector<16xi32>
          %parallel_loop3A_257 = arith.cmpi eq, %iota3A, %parallel_loop3A_256 : vector<16xi32>
          %parallel_loop3A_258 = arith.constant true
          %parallel_loop3A_259 = vector.broadcast %parallel_loop3A_258 : i1 to vector<16xi1>
          %parallel_loop3A_260 = tpu.scan <sum>, %parallel_loop3A_251 masked %parallel_loop3A_259 : vector<16xf32>, vector<16xi1> -> vector<16xf32>
          %parallel_loop3A_261 = vector.extract %parallel_loop3A_260[15] : f32 from vector<16xf32>
          %parallel_loop3A_262 = vector.broadcast %parallel_loop3A_261 : f32 to vector<16xf32>
          %parallel_loop3A_263 = arith.addf %parallel_loop3A_181, %parallel_loop3A_262 : vector<16xf32>
          %parallel_loop3A_264 = arith.select %parallel_loop3A_257, %parallel_loop3A_263, %parallel_loop3A_181 : vector<16xi1>, vector<16xf32>
          %parallel_loop3A_265 = arith.constant 16 : i32
          %parallel_loop3A_266 = arith.muli %parallel_loop3A_83, %parallel_loop3A_265 : i32
          %parallel_loop3A_267 = arith.constant 4 : i32
          %parallel_loop3A_268 = arith.muli %scan3A_97, %parallel_loop3A_267 : i32
          %parallel_loop3A_269 = arith.addi %parallel_loop3A_266, %parallel_loop3A_268 : i32
          %parallel_loop3A_270 = arith.constant 2 : i32
          %parallel_loop3A_271 = arith.addi %parallel_loop3A_269, %parallel_loop3A_270 : i32
          %parallel_loop3A_272 = arith.index_cast %parallel_loop3A_271 : i32 to index
          %parallel_loop3A_273 = arith.constant 0 : index
          %parallel_loop3A_274 = tpu.vector_load %arg10[%parallel_loop3A_272, %parallel_loop3A_273] {strides = array<i32>} : memref<64x128xf32, #tpu.memory_space<vmem>>, vector<16xf32>,
          %parallel_loop3A_275 = arith.index_cast %parallel_loop3A_271 : i32 to index
          %parallel_loop3A_276 = arith.constant 0 : index
          %parallel_loop3A_277 = tpu.vector_load %arg12[%parallel_loop3A_275, %parallel_loop3A_276] {strides = array<i32>} : memref<64x128xf32, #tpu.memory_space<vmem>>, vector<16xf32>,
          %parallel_loop3A_278 = arith.mulf %parallel_loop3A_274, %parallel_loop3A_277 : vector<16xf32>
          %parallel_loop3A_279 = arith.index_cast %parallel_loop3A_271 : i32 to index
          %parallel_loop3A_280 = arith.constant 16 : index
          %parallel_loop3A_281 = tpu.vector_load %arg10[%parallel_loop3A_279, %parallel_loop3A_280] {strides = array<i32>} : memref<64x128xf32, #tpu.memory_space<vmem>>, vector<16xf32>,
          %parallel_loop3A_282 = arith.index_cast %parallel_loop3A_271 : i32 to index
          %parallel_loop3A_283 = arith.constant 16 : index
          %parallel_loop3A_284 = tpu.vector_load %arg12[%parallel_loop3A_282, %parallel_loop3A_283] {strides = array<i32>} : memref<64x128xf32, #tpu.memory_space<vmem>>, vector<16xf32>,
          %parallel_loop3A_285 = arith.mulf %parallel_loop3A_281, %parallel_loop3A_284 : vector<16xf32>
          %parallel_loop3A_286 = arith.addf %parallel_loop3A_278, %parallel_loop3A_285 : vector<16xf32>
          %parallel_loop3A_287 = arith.index_cast %parallel_loop3A_271 : i32 to index
          %parallel_loop3A_288 = arith.constant 32 : index
          %parallel_loop3A_289 = tpu.vector_load %arg10[%parallel_loop3A_287, %parallel_loop3A_288] {strides = array<i32>} : memref<64x128xf32, #tpu.memory_space<vmem>>, vector<16xf32>,
          %parallel_loop3A_290 = arith.index_cast %parallel_loop3A_271 : i32 to index
          %parallel_loop3A_291 = arith.constant 32 : index
          %parallel_loop3A_292 = tpu.vector_load %arg12[%parallel_loop3A_290, %parallel_loop3A_291] {strides = array<i32>} : memref<64x128xf32, #tpu.memory_space<vmem>>, vector<16xf32>,
          %parallel_loop3A_293 = arith.mulf %parallel_loop3A_289, %parallel_loop3A_292 : vector<16xf32>
          %parallel_loop3A_294 = arith.addf %parallel_loop3A_286, %parallel_loop3A_293 : vector<16xf32>
          %parallel_loop3A_295 = arith.index_cast %parallel_loop3A_271 : i32 to index
          %parallel_loop3A_296 = arith.constant 48 : index
          %parallel_loop3A_297 = tpu.vector_load %arg10[%parallel_loop3A_295, %parallel_loop3A_296] {strides = array<i32>} : memref<64x128xf32, #tpu.memory_space<vmem>>, vector<16xf32>,
          %parallel_loop3A_298 = arith.index_cast %parallel_loop3A_271 : i32 to index
          %parallel_loop3A_299 = arith.constant 48 : index
          %parallel_loop3A_300 = tpu.vector_load %arg12[%parallel_loop3A_298, %parallel_loop3A_299] {strides = array<i32>} : memref<64x128xf32, #tpu.memory_space<vmem>>, vector<16xf32>,
          %parallel_loop3A_301 = arith.mulf %parallel_loop3A_297, %parallel_loop3A_300 : vector<16xf32>
          %parallel_loop3A_302 = arith.addf %parallel_loop3A_294, %parallel_loop3A_301 : vector<16xf32>
          %parallel_loop3A_303 = arith.index_cast %parallel_loop3A_271 : i32 to index
          %parallel_loop3A_304 = arith.constant 64 : index
          %parallel_loop3A_305 = tpu.vector_load %arg10[%parallel_loop3A_303, %parallel_loop3A_304] {strides = array<i32>} : memref<64x128xf32, #tpu.memory_space<vmem>>, vector<16xf32>,
          %parallel_loop3A_306 = arith.index_cast %parallel_loop3A_271 : i32 to index
          %parallel_loop3A_307 = arith.constant 64 : index
          %parallel_loop3A_308 = tpu.vector_load %arg12[%parallel_loop3A_306, %parallel_loop3A_307] {strides = array<i32>} : memref<64x128xf32, #tpu.memory_space<vmem>>, vector<16xf32>,
          %parallel_loop3A_309 = arith.mulf %parallel_loop3A_305, %parallel_loop3A_308 : vector<16xf32>
          %parallel_loop3A_310 = arith.addf %parallel_loop3A_302, %parallel_loop3A_309 : vector<16xf32>
          %parallel_loop3A_311 = arith.index_cast %parallel_loop3A_271 : i32 to index
          %parallel_loop3A_312 = arith.constant 80 : index
          %parallel_loop3A_313 = tpu.vector_load %arg10[%parallel_loop3A_311, %parallel_loop3A_312] {strides = array<i32>} : memref<64x128xf32, #tpu.memory_space<vmem>>, vector<16xf32>,
          %parallel_loop3A_314 = arith.index_cast %parallel_loop3A_271 : i32 to index
          %parallel_loop3A_315 = arith.constant 80 : index
          %parallel_loop3A_316 = tpu.vector_load %arg12[%parallel_loop3A_314, %parallel_loop3A_315] {strides = array<i32>} : memref<64x128xf32, #tpu.memory_space<vmem>>, vector<16xf32>,
          %parallel_loop3A_317 = arith.mulf %parallel_loop3A_313, %parallel_loop3A_316 : vector<16xf32>
          %parallel_loop3A_318 = arith.addf %parallel_loop3A_310, %parallel_loop3A_317 : vector<16xf32>
          %parallel_loop3A_319 = arith.index_cast %parallel_loop3A_271 : i32 to index
          %parallel_loop3A_320 = arith.constant 96 : index
          %parallel_loop3A_321 = tpu.vector_load %arg10[%parallel_loop3A_319, %parallel_loop3A_320] {strides = array<i32>} : memref<64x128xf32, #tpu.memory_space<vmem>>, vector<16xf32>,
          %parallel_loop3A_322 = arith.index_cast %parallel_loop3A_271 : i32 to index
          %parallel_loop3A_323 = arith.constant 96 : index
          %parallel_loop3A_324 = tpu.vector_load %arg12[%parallel_loop3A_322, %parallel_loop3A_323] {strides = array<i32>} : memref<64x128xf32, #tpu.memory_space<vmem>>, vector<16xf32>,
          %parallel_loop3A_325 = arith.mulf %parallel_loop3A_321, %parallel_loop3A_324 : vector<16xf32>
          %parallel_loop3A_326 = arith.addf %parallel_loop3A_318, %parallel_loop3A_325 : vector<16xf32>
          %parallel_loop3A_327 = arith.index_cast %parallel_loop3A_271 : i32 to index
          %parallel_loop3A_328 = arith.constant 112 : index
          %parallel_loop3A_329 = tpu.vector_load %arg10[%parallel_loop3A_327, %parallel_loop3A_328] {strides = array<i32>} : memref<64x128xf32, #tpu.memory_space<vmem>>, vector<16xf32>,
          %parallel_loop3A_330 = arith.index_cast %parallel_loop3A_271 : i32 to index
          %parallel_loop3A_331 = arith.constant 112 : index
          %parallel_loop3A_332 = tpu.vector_load %arg12[%parallel_loop3A_330, %parallel_loop3A_331] {strides = array<i32>} : memref<64x128xf32, #tpu.memory_space<vmem>>, vector<16xf32>,
          %parallel_loop3A_333 = arith.mulf %parallel_loop3A_329, %parallel_loop3A_332 : vector<16xf32>
          %parallel_loop3A_334 = arith.addf %parallel_loop3A_326, %parallel_loop3A_333 : vector<16xf32>
          %parallel_loop3A_335 = arith.constant 4 : i32
          %parallel_loop3A_336 = arith.muli %scan3A_97, %parallel_loop3A_335 : i32
          %parallel_loop3A_337 = arith.constant 2 : i32
          %parallel_loop3A_338 = arith.addi %parallel_loop3A_336, %parallel_loop3A_337 : i32
          %parallel_loop3A_339 = vector.broadcast %parallel_loop3A_338 : i32 to vector<16xi32>
          %parallel_loop3A_340 = arith.cmpi eq, %iota3A, %parallel_loop3A_339 : vector<16xi32>
          %parallel_loop3A_341 = arith.constant true
          %parallel_loop3A_342 = vector.broadcast %parallel_loop3A_341 : i1 to vector<16xi1>
          %parallel_loop3A_343 = tpu.scan <sum>, %parallel_loop3A_334 masked %parallel_loop3A_342 : vector<16xf32>, vector<16xi1> -> vector<16xf32>
          %parallel_loop3A_344 = vector.extract %parallel_loop3A_343[15] : f32 from vector<16xf32>
          %parallel_loop3A_345 = vector.broadcast %parallel_loop3A_344 : f32 to vector<16xf32>
          %parallel_loop3A_346 = arith.addf %parallel_loop3A_264, %parallel_loop3A_345 : vector<16xf32>
          %parallel_loop3A_347 = arith.select %parallel_loop3A_340, %parallel_loop3A_346, %parallel_loop3A_264 : vector<16xi1>, vector<16xf32>
          %parallel_loop3A_348 = arith.constant 16 : i32
          %parallel_loop3A_349 = arith.muli %parallel_loop3A_83, %parallel_loop3A_348 : i32
          %parallel_loop3A_350 = arith.constant 4 : i32
          %parallel_loop3A_351 = arith.muli %scan3A_97, %parallel_loop3A_350 : i32
          %parallel_loop3A_352 = arith.addi %parallel_loop3A_349, %parallel_loop3A_351 : i32
          %parallel_loop3A_353 = arith.constant 3 : i32
          %parallel_loop3A_354 = arith.addi %parallel_loop3A_352, %parallel_loop3A_353 : i32
          %parallel_loop3A_355 = arith.index_cast %parallel_loop3A_354 : i32 to index
          %parallel_loop3A_356 = arith.constant 0 : index
          %parallel_loop3A_357 = tpu.vector_load %arg10[%parallel_loop3A_355, %parallel_loop3A_356] {strides = array<i32>} : memref<64x128xf32, #tpu.memory_space<vmem>>, vector<16xf32>,
          %parallel_loop3A_358 = arith.index_cast %parallel_loop3A_354 : i32 to index
          %parallel_loop3A_359 = arith.constant 0 : index
          %parallel_loop3A_360 = tpu.vector_load %arg12[%parallel_loop3A_358, %parallel_loop3A_359] {strides = array<i32>} : memref<64x128xf32, #tpu.memory_space<vmem>>, vector<16xf32>,
          %parallel_loop3A_361 = arith.mulf %parallel_loop3A_357, %parallel_loop3A_360 : vector<16xf32>
          %parallel_loop3A_362 = arith.index_cast %parallel_loop3A_354 : i32 to index
          %parallel_loop3A_363 = arith.constant 16 : index
          %parallel_loop3A_364 = tpu.vector_load %arg10[%parallel_loop3A_362, %parallel_loop3A_363] {strides = array<i32>} : memref<64x128xf32, #tpu.memory_space<vmem>>, vector<16xf32>,
          %parallel_loop3A_365 = arith.index_cast %parallel_loop3A_354 : i32 to index
          %parallel_loop3A_366 = arith.constant 16 : index
          %parallel_loop3A_367 = tpu.vector_load %arg12[%parallel_loop3A_365, %parallel_loop3A_366] {strides = array<i32>} : memref<64x128xf32, #tpu.memory_space<vmem>>, vector<16xf32>,
          %parallel_loop3A_368 = arith.mulf %parallel_loop3A_364, %parallel_loop3A_367 : vector<16xf32>
          %parallel_loop3A_369 = arith.addf %parallel_loop3A_361, %parallel_loop3A_368 : vector<16xf32>
          %parallel_loop3A_370 = arith.index_cast %parallel_loop3A_354 : i32 to index
          %parallel_loop3A_371 = arith.constant 32 : index
          %parallel_loop3A_372 = tpu.vector_load %arg10[%parallel_loop3A_370, %parallel_loop3A_371] {strides = array<i32>} : memref<64x128xf32, #tpu.memory_space<vmem>>, vector<16xf32>,
          %parallel_loop3A_373 = arith.index_cast %parallel_loop3A_354 : i32 to index
          %parallel_loop3A_374 = arith.constant 32 : index
          %parallel_loop3A_375 = tpu.vector_load %arg12[%parallel_loop3A_373, %parallel_loop3A_374] {strides = array<i32>} : memref<64x128xf32, #tpu.memory_space<vmem>>, vector<16xf32>,
          %parallel_loop3A_376 = arith.mulf %parallel_loop3A_372, %parallel_loop3A_375 : vector<16xf32>
          %parallel_loop3A_377 = arith.addf %parallel_loop3A_369, %parallel_loop3A_376 : vector<16xf32>
          %parallel_loop3A_378 = arith.index_cast %parallel_loop3A_354 : i32 to index
          %parallel_loop3A_379 = arith.constant 48 : index
          %parallel_loop3A_380 = tpu.vector_load %arg10[%parallel_loop3A_378, %parallel_loop3A_379] {strides = array<i32>} : memref<64x128xf32, #tpu.memory_space<vmem>>, vector<16xf32>,
          %parallel_loop3A_381 = arith.index_cast %parallel_loop3A_354 : i32 to index
          %parallel_loop3A_382 = arith.constant 48 : index
          %parallel_loop3A_383 = tpu.vector_load %arg12[%parallel_loop3A_381, %parallel_loop3A_382] {strides = array<i32>} : memref<64x128xf32, #tpu.memory_space<vmem>>, vector<16xf32>,
          %parallel_loop3A_384 = arith.mulf %parallel_loop3A_380, %parallel_loop3A_383 : vector<16xf32>
          %parallel_loop3A_385 = arith.addf %parallel_loop3A_377, %parallel_loop3A_384 : vector<16xf32>
          %parallel_loop3A_386 = arith.index_cast %parallel_loop3A_354 : i32 to index
          %parallel_loop3A_387 = arith.constant 64 : index
          %parallel_loop3A_388 = tpu.vector_load %arg10[%parallel_loop3A_386, %parallel_loop3A_387] {strides = array<i32>} : memref<64x128xf32, #tpu.memory_space<vmem>>, vector<16xf32>,
          %parallel_loop3A_389 = arith.index_cast %parallel_loop3A_354 : i32 to index
          %parallel_loop3A_390 = arith.constant 64 : index
          %parallel_loop3A_391 = tpu.vector_load %arg12[%parallel_loop3A_389, %parallel_loop3A_390] {strides = array<i32>} : memref<64x128xf32, #tpu.memory_space<vmem>>, vector<16xf32>,
          %parallel_loop3A_392 = arith.mulf %parallel_loop3A_388, %parallel_loop3A_391 : vector<16xf32>
          %parallel_loop3A_393 = arith.addf %parallel_loop3A_385, %parallel_loop3A_392 : vector<16xf32>
          %parallel_loop3A_394 = arith.index_cast %parallel_loop3A_354 : i32 to index
          %parallel_loop3A_395 = arith.constant 80 : index
          %parallel_loop3A_396 = tpu.vector_load %arg10[%parallel_loop3A_394, %parallel_loop3A_395] {strides = array<i32>} : memref<64x128xf32, #tpu.memory_space<vmem>>, vector<16xf32>,
          %parallel_loop3A_397 = arith.index_cast %parallel_loop3A_354 : i32 to index
          %parallel_loop3A_398 = arith.constant 80 : index
          %parallel_loop3A_399 = tpu.vector_load %arg12[%parallel_loop3A_397, %parallel_loop3A_398] {strides = array<i32>} : memref<64x128xf32, #tpu.memory_space<vmem>>, vector<16xf32>,
          %parallel_loop3A_400 = arith.mulf %parallel_loop3A_396, %parallel_loop3A_399 : vector<16xf32>
          %parallel_loop3A_401 = arith.addf %parallel_loop3A_393, %parallel_loop3A_400 : vector<16xf32>
          %parallel_loop3A_402 = arith.index_cast %parallel_loop3A_354 : i32 to index
          %parallel_loop3A_403 = arith.constant 96 : index
          %parallel_loop3A_404 = tpu.vector_load %arg10[%parallel_loop3A_402, %parallel_loop3A_403] {strides = array<i32>} : memref<64x128xf32, #tpu.memory_space<vmem>>, vector<16xf32>,
          %parallel_loop3A_405 = arith.index_cast %parallel_loop3A_354 : i32 to index
          %parallel_loop3A_406 = arith.constant 96 : index
          %parallel_loop3A_407 = tpu.vector_load %arg12[%parallel_loop3A_405, %parallel_loop3A_406] {strides = array<i32>} : memref<64x128xf32, #tpu.memory_space<vmem>>, vector<16xf32>,
          %parallel_loop3A_408 = arith.mulf %parallel_loop3A_404, %parallel_loop3A_407 : vector<16xf32>
          %parallel_loop3A_409 = arith.addf %parallel_loop3A_401, %parallel_loop3A_408 : vector<16xf32>
          %parallel_loop3A_410 = arith.index_cast %parallel_loop3A_354 : i32 to index
          %parallel_loop3A_411 = arith.constant 112 : index
          %parallel_loop3A_412 = tpu.vector_load %arg10[%parallel_loop3A_410, %parallel_loop3A_411] {strides = array<i32>} : memref<64x128xf32, #tpu.memory_space<vmem>>, vector<16xf32>,
          %parallel_loop3A_413 = arith.index_cast %parallel_loop3A_354 : i32 to index
          %parallel_loop3A_414 = arith.constant 112 : index
          %parallel_loop3A_415 = tpu.vector_load %arg12[%parallel_loop3A_413, %parallel_loop3A_414] {strides = array<i32>} : memref<64x128xf32, #tpu.memory_space<vmem>>, vector<16xf32>,
          %parallel_loop3A_416 = arith.mulf %parallel_loop3A_412, %parallel_loop3A_415 : vector<16xf32>
          %parallel_loop3A_417 = arith.addf %parallel_loop3A_409, %parallel_loop3A_416 : vector<16xf32>
          %parallel_loop3A_418 = arith.constant 4 : i32
          %parallel_loop3A_419 = arith.muli %scan3A_97, %parallel_loop3A_418 : i32
          %parallel_loop3A_420 = arith.constant 3 : i32
          %parallel_loop3A_421 = arith.addi %parallel_loop3A_419, %parallel_loop3A_420 : i32
          %parallel_loop3A_422 = vector.broadcast %parallel_loop3A_421 : i32 to vector<16xi32>
          %parallel_loop3A_423 = arith.cmpi eq, %iota3A, %parallel_loop3A_422 : vector<16xi32>
          %parallel_loop3A_424 = arith.constant true
          %parallel_loop3A_425 = vector.broadcast %parallel_loop3A_424 : i1 to vector<16xi1>
          %parallel_loop3A_426 = tpu.scan <sum>, %parallel_loop3A_417 masked %parallel_loop3A_425 : vector<16xf32>, vector<16xi1> -> vector<16xf32>
          %parallel_loop3A_427 = vector.extract %parallel_loop3A_426[15] : f32 from vector<16xf32>
          %parallel_loop3A_428 = vector.broadcast %parallel_loop3A_427 : f32 to vector<16xf32>
          %parallel_loop3A_429 = arith.addf %parallel_loop3A_347, %parallel_loop3A_428 : vector<16xf32>
          %parallel_loop3A_430 = arith.select %parallel_loop3A_423, %parallel_loop3A_429, %parallel_loop3A_347 : vector<16xi1>, vector<16xf32>
          scf.yield %parallel_loop3A_430 : vector<16xf32>
        }
        %parallel_loop3A_89 = arith.constant 4 : i32
        %parallel_loop3A_90 = arith.constant 64 : i32
        %parallel_loop3A_91 = arith.muli %add3A_41, %parallel_loop3A_90 : i32
        %parallel_loop3A_92 = arith.constant 16 : i32
        %parallel_loop3A_93 = arith.muli %parallel_loop3A_83, %parallel_loop3A_92 : i32
        %parallel_loop3A_94 = arith.addi %parallel_loop3A_91, %parallel_loop3A_93 : i32
        %parallel_loop3A_95 = arith.index_cast %parallel_loop3A_94 : i32 to index
        %parallel_loop3A_96 = tpu.vector_load %arg14[%parallel_loop3A_95] {strides = array<i32>} : memref<512xf32, #tpu.memory_space<vmem>>, vector<16xf32>,
        tpu.vector_store %arg14[%parallel_loop3A_95], %parallel_loop3A_88 {strides = array<i32>} : memref<512xf32, #tpu.memory_space<vmem>>, vector<16xf32>,
      } {sc.loop_unroll_factor = 1 : i64, sc.parallel_access}
      %lt3A = arith.constant 3 : i32
      %lt3A_56 = arith.cmpi slt, %scan3A_36, %lt3A : i32
      %convert_element_type3A = arith.extui %lt3A_56 : i1 to i32
      %cond3A = arith.constant 0 : i32
      %cond3A_57 = arith.cmpi ne, %convert_element_type3A, %cond3A : i32
      scf.if %cond3A_57 {
        %add3A_83 = arith.constant 2 : i32
        %add3A_84 = arith.addi %add3A_41, %add3A_83 : i32
        %mul3A_85 = arith.constant 64 : i32
        %mul3A_86 = arith.muli %add3A_84, %mul3A_85 : i32
        %mul3A_87 = arith.constant 64 : i32
        %mul3A_88 = arith.muli %add3A_84, %mul3A_87 : i32
        %dma_start3A_89 = tpu.memref_slice %arg8[%mul3A_86] : memref<512xi32, #tpu.memory_space<vmem>> -> memref<64xi32, #tpu.memory_space<vmem>>
        %dma_start3A_90 = arith.constant 0 : i32
        %dma_start3A_91 = arith.constant 0 : i32
        %dma_start3A_92 = tpu.memref_slice %arg4[%dma_start3A_90, %dma_start3A_91] : memref<1000000x128xf32, #tpu.memory_space<hbm>> -> memref<1000000x128xf32, #tpu.memory_space<hbm>>
        tpu.enqueue_indirect_dma source(%dma_start3A_92 : memref<1000000x128xf32, #tpu.memory_space<hbm>>) target(%arg10 : memref<64x128xf32, #tpu.memory_space<vmem>>) offsets(%dma_start3A_89 : memref<64xi32, #tpu.memory_space<vmem>>) semaphore(%arg16 : memref<!tpu.dma_semaphore, #tpu.memory_space<semaphore_mem>>)
        %dma_start3A_93 = tpu.memref_slice %arg9[%mul3A_88] : memref<512xi32, #tpu.memory_space<vmem>> -> memref<64xi32, #tpu.memory_space<vmem>>
        %dma_start3A_94 = arith.constant 0 : i32
        %dma_start3A_95 = arith.constant 0 : i32
        %dma_start3A_96 = tpu.memref_slice %arg5[%dma_start3A_94, %dma_start3A_95] : memref<1000000x128xf32, #tpu.memory_space<hbm>> -> memref<1000000x128xf32, #tpu.memory_space<hbm>>
        tpu.enqueue_indirect_dma source(%dma_start3A_96 : memref<1000000x128xf32, #tpu.memory_space<hbm>>) target(%arg12 : memref<64x128xf32, #tpu.memory_space<vmem>>) offsets(%dma_start3A_93 : memref<64xi32, #tpu.memory_space<vmem>>) semaphore(%arg16 : memref<!tpu.dma_semaphore, #tpu.memory_space<semaphore_mem>>)
      } else {
      }
      %mul3A_58 = arith.constant 2 : i32
      %mul3A_59 = arith.muli %mul3A_58, %scan3A_36 : i32
      %add3A_60 = arith.constant 1 : i32
      %add3A_61 = arith.addi %mul3A_59, %add3A_60 : i32
      %mul3A_62 = arith.constant 64 : i32
      %mul3A_63 = arith.muli %add3A_61, %mul3A_62 : i32
      %mul3A_64 = arith.constant 64 : i32
      %mul3A_65 = arith.muli %add3A_61, %mul3A_64 : i32
      %dma_wait3A_66 = tpu.memref_slice %arg8[%mul3A_63] : memref<512xi32, #tpu.memory_space<vmem>> -> memref<64xi32, #tpu.memory_space<vmem>>
      %dma_wait3A_67 = arith.constant 0 : i32
      %dma_wait3A_68 = arith.constant 0 : i32
      %dma_wait3A_69 = tpu.memref_slice %arg4[%dma_wait3A_67, %dma_wait3A_68] : memref<1000000x128xf32, #tpu.memory_space<hbm>> -> memref<1000000x128xf32, #tpu.memory_space<hbm>>
      tpu.wait_indirect_dma semaphore(%arg17 : memref<!tpu.dma_semaphore, #tpu.memory_space<semaphore_mem>>) src(%dma_wait3A_69 : memref<1000000x128xf32, #tpu.memory_space<hbm>>) dst(%arg11 : memref<64x128xf32, #tpu.memory_space<vmem>>)
      %dma_wait3A_70 = tpu.memref_slice %arg9[%mul3A_65] : memref<512xi32, #tpu.memory_space<vmem>> -> memref<64xi32, #tpu.memory_space<vmem>>
      %dma_wait3A_71 = arith.constant 0 : i32
      %dma_wait3A_72 = arith.constant 0 : i32
      %dma_wait3A_73 = tpu.memref_slice %arg5[%dma_wait3A_71, %dma_wait3A_72] : memref<1000000x128xf32, #tpu.memory_space<hbm>> -> memref<1000000x128xf32, #tpu.memory_space<hbm>>
      tpu.wait_indirect_dma semaphore(%arg17 : memref<!tpu.dma_semaphore, #tpu.memory_space<semaphore_mem>>) src(%dma_wait3A_73 : memref<1000000x128xf32, #tpu.memory_space<hbm>>) dst(%arg13 : memref<64x128xf32, #tpu.memory_space<vmem>>)
      %parallel_loop3A_74 = arith.constant 0 : i32
      %parallel_loop3A_75 = arith.constant 4 : i32
      %parallel_loop3A_76 = arith.constant 1 : i32
      scf.for %parallel_loop3A_83 = %parallel_loop3A_74 to %parallel_loop3A_75 step %parallel_loop3A_76  : i32 {
        %parallel_loop3A_84 = arith.constant 0 : i32
        %parallel_loop3A_85 = arith.constant 4 : i32
        %parallel_loop3A_86 = arith.addi %parallel_loop3A_84, %parallel_loop3A_85 : i32
        %parallel_loop3A_87 = arith.constant 1 : i32
        %parallel_loop3A_88 = scf.for %scan3A_97 = %parallel_loop3A_84 to %parallel_loop3A_86 step %parallel_loop3A_87 iter_args(%scan3A_98 = %get3A_9) -> (vector<16xf32>)  : i32 {
          %parallel_loop3A_99 = arith.constant 16 : i32
          %parallel_loop3A_100 = arith.muli %parallel_loop3A_83, %parallel_loop3A_99 : i32
          %parallel_loop3A_101 = arith.constant 4 : i32
          %parallel_loop3A_102 = arith.muli %scan3A_97, %parallel_loop3A_101 : i32
          %parallel_loop3A_103 = arith.addi %parallel_loop3A_100, %parallel_loop3A_102 : i32
          %parallel_loop3A_104 = arith.constant 0 : i32
          %parallel_loop3A_105 = arith.addi %parallel_loop3A_103, %parallel_loop3A_104 : i32
          %parallel_loop3A_106 = arith.index_cast %parallel_loop3A_105 : i32 to index
          %parallel_loop3A_107 = arith.constant 0 : index
          %parallel_loop3A_108 = tpu.vector_load %arg11[%parallel_loop3A_106, %parallel_loop3A_107] {strides = array<i32>} : memref<64x128xf32, #tpu.memory_space<vmem>>, vector<16xf32>,
          %parallel_loop3A_109 = arith.index_cast %parallel_loop3A_105 : i32 to index
          %parallel_loop3A_110 = arith.constant 0 : index
          %parallel_loop3A_111 = tpu.vector_load %arg13[%parallel_loop3A_109, %parallel_loop3A_110] {strides = array<i32>} : memref<64x128xf32, #tpu.memory_space<vmem>>, vector<16xf32>,
          %parallel_loop3A_112 = arith.mulf %parallel_loop3A_108, %parallel_loop3A_111 : vector<16xf32>
          %parallel_loop3A_113 = arith.index_cast %parallel_loop3A_105 : i32 to index
          %parallel_loop3A_114 = arith.constant 16 : index
          %parallel_loop3A_115 = tpu.vector_load %arg11[%parallel_loop3A_113, %parallel_loop3A_114] {strides = array<i32>} : memref<64x128xf32, #tpu.memory_space<vmem>>, vector<16xf32>,
          %parallel_loop3A_116 = arith.index_cast %parallel_loop3A_105 : i32 to index
          %parallel_loop3A_117 = arith.constant 16 : index
          %parallel_loop3A_118 = tpu.vector_load %arg13[%parallel_loop3A_116, %parallel_loop3A_117] {strides = array<i32>} : memref<64x128xf32, #tpu.memory_space<vmem>>, vector<16xf32>,
          %parallel_loop3A_119 = arith.mulf %parallel_loop3A_115, %parallel_loop3A_118 : vector<16xf32>
          %parallel_loop3A_120 = arith.addf %parallel_loop3A_112, %parallel_loop3A_119 : vector<16xf32>
          %parallel_loop3A_121 = arith.index_cast %parallel_loop3A_105 : i32 to index
          %parallel_loop3A_122 = arith.constant 32 : index
          %parallel_loop3A_123 = tpu.vector_load %arg11[%parallel_loop3A_121, %parallel_loop3A_122] {strides = array<i32>} : memref<64x128xf32, #tpu.memory_space<vmem>>, vector<16xf32>,
          %parallel_loop3A_124 = arith.index_cast %parallel_loop3A_105 : i32 to index
          %parallel_loop3A_125 = arith.constant 32 : index
          %parallel_loop3A_126 = tpu.vector_load %arg13[%parallel_loop3A_124, %parallel_loop3A_125] {strides = array<i32>} : memref<64x128xf32, #tpu.memory_space<vmem>>, vector<16xf32>,
          %parallel_loop3A_127 = arith.mulf %parallel_loop3A_123, %parallel_loop3A_126 : vector<16xf32>
          %parallel_loop3A_128 = arith.addf %parallel_loop3A_120, %parallel_loop3A_127 : vector<16xf32>
          %parallel_loop3A_129 = arith.index_cast %parallel_loop3A_105 : i32 to index
          %parallel_loop3A_130 = arith.constant 48 : index
          %parallel_loop3A_131 = tpu.vector_load %arg11[%parallel_loop3A_129, %parallel_loop3A_130] {strides = array<i32>} : memref<64x128xf32, #tpu.memory_space<vmem>>, vector<16xf32>,
          %parallel_loop3A_132 = arith.index_cast %parallel_loop3A_105 : i32 to index
          %parallel_loop3A_133 = arith.constant 48 : index
          %parallel_loop3A_134 = tpu.vector_load %arg13[%parallel_loop3A_132, %parallel_loop3A_133] {strides = array<i32>} : memref<64x128xf32, #tpu.memory_space<vmem>>, vector<16xf32>,
          %parallel_loop3A_135 = arith.mulf %parallel_loop3A_131, %parallel_loop3A_134 : vector<16xf32>
          %parallel_loop3A_136 = arith.addf %parallel_loop3A_128, %parallel_loop3A_135 : vector<16xf32>
          %parallel_loop3A_137 = arith.index_cast %parallel_loop3A_105 : i32 to index
          %parallel_loop3A_138 = arith.constant 64 : index
          %parallel_loop3A_139 = tpu.vector_load %arg11[%parallel_loop3A_137, %parallel_loop3A_138] {strides = array<i32>} : memref<64x128xf32, #tpu.memory_space<vmem>>, vector<16xf32>,
          %parallel_loop3A_140 = arith.index_cast %parallel_loop3A_105 : i32 to index
          %parallel_loop3A_141 = arith.constant 64 : index
          %parallel_loop3A_142 = tpu.vector_load %arg13[%parallel_loop3A_140, %parallel_loop3A_141] {strides = array<i32>} : memref<64x128xf32, #tpu.memory_space<vmem>>, vector<16xf32>,
          %parallel_loop3A_143 = arith.mulf %parallel_loop3A_139, %parallel_loop3A_142 : vector<16xf32>
          %parallel_loop3A_144 = arith.addf %parallel_loop3A_136, %parallel_loop3A_143 : vector<16xf32>
          %parallel_loop3A_145 = arith.index_cast %parallel_loop3A_105 : i32 to index
          %parallel_loop3A_146 = arith.constant 80 : index
          %parallel_loop3A_147 = tpu.vector_load %arg11[%parallel_loop3A_145, %parallel_loop3A_146] {strides = array<i32>} : memref<64x128xf32, #tpu.memory_space<vmem>>, vector<16xf32>,
          %parallel_loop3A_148 = arith.index_cast %parallel_loop3A_105 : i32 to index
          %parallel_loop3A_149 = arith.constant 80 : index
          %parallel_loop3A_150 = tpu.vector_load %arg13[%parallel_loop3A_148, %parallel_loop3A_149] {strides = array<i32>} : memref<64x128xf32, #tpu.memory_space<vmem>>, vector<16xf32>,
          %parallel_loop3A_151 = arith.mulf %parallel_loop3A_147, %parallel_loop3A_150 : vector<16xf32>
          %parallel_loop3A_152 = arith.addf %parallel_loop3A_144, %parallel_loop3A_151 : vector<16xf32>
          %parallel_loop3A_153 = arith.index_cast %parallel_loop3A_105 : i32 to index
          %parallel_loop3A_154 = arith.constant 96 : index
          %parallel_loop3A_155 = tpu.vector_load %arg11[%parallel_loop3A_153, %parallel_loop3A_154] {strides = array<i32>} : memref<64x128xf32, #tpu.memory_space<vmem>>, vector<16xf32>,
          %parallel_loop3A_156 = arith.index_cast %parallel_loop3A_105 : i32 to index
          %parallel_loop3A_157 = arith.constant 96 : index
          %parallel_loop3A_158 = tpu.vector_load %arg13[%parallel_loop3A_156, %parallel_loop3A_157] {strides = array<i32>} : memref<64x128xf32, #tpu.memory_space<vmem>>, vector<16xf32>,
          %parallel_loop3A_159 = arith.mulf %parallel_loop3A_155, %parallel_loop3A_158 : vector<16xf32>
          %parallel_loop3A_160 = arith.addf %parallel_loop3A_152, %parallel_loop3A_159 : vector<16xf32>
          %parallel_loop3A_161 = arith.index_cast %parallel_loop3A_105 : i32 to index
          %parallel_loop3A_162 = arith.constant 112 : index
          %parallel_loop3A_163 = tpu.vector_load %arg11[%parallel_loop3A_161, %parallel_loop3A_162] {strides = array<i32>} : memref<64x128xf32, #tpu.memory_space<vmem>>, vector<16xf32>,
          %parallel_loop3A_164 = arith.index_cast %parallel_loop3A_105 : i32 to index
          %parallel_loop3A_165 = arith.constant 112 : index
          %parallel_loop3A_166 = tpu.vector_load %arg13[%parallel_loop3A_164, %parallel_loop3A_165] {strides = array<i32>} : memref<64x128xf32, #tpu.memory_space<vmem>>, vector<16xf32>,
          %parallel_loop3A_167 = arith.mulf %parallel_loop3A_163, %parallel_loop3A_166 : vector<16xf32>
          %parallel_loop3A_168 = arith.addf %parallel_loop3A_160, %parallel_loop3A_167 : vector<16xf32>
          %parallel_loop3A_169 = arith.constant 4 : i32
          %parallel_loop3A_170 = arith.muli %scan3A_97, %parallel_loop3A_169 : i32
          %parallel_loop3A_171 = arith.constant 0 : i32
          %parallel_loop3A_172 = arith.addi %parallel_loop3A_170, %parallel_loop3A_171 : i32
          %parallel_loop3A_173 = vector.broadcast %parallel_loop3A_172 : i32 to vector<16xi32>
          %parallel_loop3A_174 = arith.cmpi eq, %iota3A, %parallel_loop3A_173 : vector<16xi32>
          %parallel_loop3A_175 = arith.constant true
          %parallel_loop3A_176 = vector.broadcast %parallel_loop3A_175 : i1 to vector<16xi1>
          %parallel_loop3A_177 = tpu.scan <sum>, %parallel_loop3A_168 masked %parallel_loop3A_176 : vector<16xf32>, vector<16xi1> -> vector<16xf32>
          %parallel_loop3A_178 = vector.extract %parallel_loop3A_177[15] : f32 from vector<16xf32>
          %parallel_loop3A_179 = vector.broadcast %parallel_loop3A_178 : f32 to vector<16xf32>
          %parallel_loop3A_180 = arith.addf %scan3A_98, %parallel_loop3A_179 : vector<16xf32>
          %parallel_loop3A_181 = arith.select %parallel_loop3A_174, %parallel_loop3A_180, %scan3A_98 : vector<16xi1>, vector<16xf32>
          %parallel_loop3A_182 = arith.constant 16 : i32
          %parallel_loop3A_183 = arith.muli %parallel_loop3A_83, %parallel_loop3A_182 : i32
          %parallel_loop3A_184 = arith.constant 4 : i32
          %parallel_loop3A_185 = arith.muli %scan3A_97, %parallel_loop3A_184 : i32
          %parallel_loop3A_186 = arith.addi %parallel_loop3A_183, %parallel_loop3A_185 : i32
          %parallel_loop3A_187 = arith.constant 1 : i32
          %parallel_loop3A_188 = arith.addi %parallel_loop3A_186, %parallel_loop3A_187 : i32
          %parallel_loop3A_189 = arith.index_cast %parallel_loop3A_188 : i32 to index
          %parallel_loop3A_190 = arith.constant 0 : index
          %parallel_loop3A_191 = tpu.vector_load %arg11[%parallel_loop3A_189, %parallel_loop3A_190] {strides = array<i32>} : memref<64x128xf32, #tpu.memory_space<vmem>>, vector<16xf32>,
          %parallel_loop3A_192 = arith.index_cast %parallel_loop3A_188 : i32 to index
          %parallel_loop3A_193 = arith.constant 0 : index
          %parallel_loop3A_194 = tpu.vector_load %arg13[%parallel_loop3A_192, %parallel_loop3A_193] {strides = array<i32>} : memref<64x128xf32, #tpu.memory_space<vmem>>, vector<16xf32>,
          %parallel_loop3A_195 = arith.mulf %parallel_loop3A_191, %parallel_loop3A_194 : vector<16xf32>
          %parallel_loop3A_196 = arith.index_cast %parallel_loop3A_188 : i32 to index
          %parallel_loop3A_197 = arith.constant 16 : index
          %parallel_loop3A_198 = tpu.vector_load %arg11[%parallel_loop3A_196, %parallel_loop3A_197] {strides = array<i32>} : memref<64x128xf32, #tpu.memory_space<vmem>>, vector<16xf32>,
          %parallel_loop3A_199 = arith.index_cast %parallel_loop3A_188 : i32 to index
          %parallel_loop3A_200 = arith.constant 16 : index
          %parallel_loop3A_201 = tpu.vector_load %arg13[%parallel_loop3A_199, %parallel_loop3A_200] {strides = array<i32>} : memref<64x128xf32, #tpu.memory_space<vmem>>, vector<16xf32>,
          %parallel_loop3A_202 = arith.mulf %parallel_loop3A_198, %parallel_loop3A_201 : vector<16xf32>
          %parallel_loop3A_203 = arith.addf %parallel_loop3A_195, %parallel_loop3A_202 : vector<16xf32>
          %parallel_loop3A_204 = arith.index_cast %parallel_loop3A_188 : i32 to index
          %parallel_loop3A_205 = arith.constant 32 : index
          %parallel_loop3A_206 = tpu.vector_load %arg11[%parallel_loop3A_204, %parallel_loop3A_205] {strides = array<i32>} : memref<64x128xf32, #tpu.memory_space<vmem>>, vector<16xf32>,
          %parallel_loop3A_207 = arith.index_cast %parallel_loop3A_188 : i32 to index
          %parallel_loop3A_208 = arith.constant 32 : index
          %parallel_loop3A_209 = tpu.vector_load %arg13[%parallel_loop3A_207, %parallel_loop3A_208] {strides = array<i32>} : memref<64x128xf32, #tpu.memory_space<vmem>>, vector<16xf32>,
          %parallel_loop3A_210 = arith.mulf %parallel_loop3A_206, %parallel_loop3A_209 : vector<16xf32>
          %parallel_loop3A_211 = arith.addf %parallel_loop3A_203, %parallel_loop3A_210 : vector<16xf32>
          %parallel_loop3A_212 = arith.index_cast %parallel_loop3A_188 : i32 to index
          %parallel_loop3A_213 = arith.constant 48 : index
          %parallel_loop3A_214 = tpu.vector_load %arg11[%parallel_loop3A_212, %parallel_loop3A_213] {strides = array<i32>} : memref<64x128xf32, #tpu.memory_space<vmem>>, vector<16xf32>,
          %parallel_loop3A_215 = arith.index_cast %parallel_loop3A_188 : i32 to index
          %parallel_loop3A_216 = arith.constant 48 : index
          %parallel_loop3A_217 = tpu.vector_load %arg13[%parallel_loop3A_215, %parallel_loop3A_216] {strides = array<i32>} : memref<64x128xf32, #tpu.memory_space<vmem>>, vector<16xf32>,
          %parallel_loop3A_218 = arith.mulf %parallel_loop3A_214, %parallel_loop3A_217 : vector<16xf32>
          %parallel_loop3A_219 = arith.addf %parallel_loop3A_211, %parallel_loop3A_218 : vector<16xf32>
          %parallel_loop3A_220 = arith.index_cast %parallel_loop3A_188 : i32 to index
          %parallel_loop3A_221 = arith.constant 64 : index
          %parallel_loop3A_222 = tpu.vector_load %arg11[%parallel_loop3A_220, %parallel_loop3A_221] {strides = array<i32>} : memref<64x128xf32, #tpu.memory_space<vmem>>, vector<16xf32>,
          %parallel_loop3A_223 = arith.index_cast %parallel_loop3A_188 : i32 to index
          %parallel_loop3A_224 = arith.constant 64 : index
          %parallel_loop3A_225 = tpu.vector_load %arg13[%parallel_loop3A_223, %parallel_loop3A_224] {strides = array<i32>} : memref<64x128xf32, #tpu.memory_space<vmem>>, vector<16xf32>,
          %parallel_loop3A_226 = arith.mulf %parallel_loop3A_222, %parallel_loop3A_225 : vector<16xf32>
          %parallel_loop3A_227 = arith.addf %parallel_loop3A_219, %parallel_loop3A_226 : vector<16xf32>
          %parallel_loop3A_228 = arith.index_cast %parallel_loop3A_188 : i32 to index
          %parallel_loop3A_229 = arith.constant 80 : index
          %parallel_loop3A_230 = tpu.vector_load %arg11[%parallel_loop3A_228, %parallel_loop3A_229] {strides = array<i32>} : memref<64x128xf32, #tpu.memory_space<vmem>>, vector<16xf32>,
          %parallel_loop3A_231 = arith.index_cast %parallel_loop3A_188 : i32 to index
          %parallel_loop3A_232 = arith.constant 80 : index
          %parallel_loop3A_233 = tpu.vector_load %arg13[%parallel_loop3A_231, %parallel_loop3A_232] {strides = array<i32>} : memref<64x128xf32, #tpu.memory_space<vmem>>, vector<16xf32>,
          %parallel_loop3A_234 = arith.mulf %parallel_loop3A_230, %parallel_loop3A_233 : vector<16xf32>
          %parallel_loop3A_235 = arith.addf %parallel_loop3A_227, %parallel_loop3A_234 : vector<16xf32>
          %parallel_loop3A_236 = arith.index_cast %parallel_loop3A_188 : i32 to index
          %parallel_loop3A_237 = arith.constant 96 : index
          %parallel_loop3A_238 = tpu.vector_load %arg11[%parallel_loop3A_236, %parallel_loop3A_237] {strides = array<i32>} : memref<64x128xf32, #tpu.memory_space<vmem>>, vector<16xf32>,
          %parallel_loop3A_239 = arith.index_cast %parallel_loop3A_188 : i32 to index
          %parallel_loop3A_240 = arith.constant 96 : index
          %parallel_loop3A_241 = tpu.vector_load %arg13[%parallel_loop3A_239, %parallel_loop3A_240] {strides = array<i32>} : memref<64x128xf32, #tpu.memory_space<vmem>>, vector<16xf32>,
          %parallel_loop3A_242 = arith.mulf %parallel_loop3A_238, %parallel_loop3A_241 : vector<16xf32>
          %parallel_loop3A_243 = arith.addf %parallel_loop3A_235, %parallel_loop3A_242 : vector<16xf32>
          %parallel_loop3A_244 = arith.index_cast %parallel_loop3A_188 : i32 to index
          %parallel_loop3A_245 = arith.constant 112 : index
          %parallel_loop3A_246 = tpu.vector_load %arg11[%parallel_loop3A_244, %parallel_loop3A_245] {strides = array<i32>} : memref<64x128xf32, #tpu.memory_space<vmem>>, vector<16xf32>,
          %parallel_loop3A_247 = arith.index_cast %parallel_loop3A_188 : i32 to index
          %parallel_loop3A_248 = arith.constant 112 : index
          %parallel_loop3A_249 = tpu.vector_load %arg13[%parallel_loop3A_247, %parallel_loop3A_248] {strides = array<i32>} : memref<64x128xf32, #tpu.memory_space<vmem>>, vector<16xf32>,
          %parallel_loop3A_250 = arith.mulf %parallel_loop3A_246, %parallel_loop3A_249 : vector<16xf32>
          %parallel_loop3A_251 = arith.addf %parallel_loop3A_243, %parallel_loop3A_250 : vector<16xf32>
          %parallel_loop3A_252 = arith.constant 4 : i32
          %parallel_loop3A_253 = arith.muli %scan3A_97, %parallel_loop3A_252 : i32
          %parallel_loop3A_254 = arith.constant 1 : i32
          %parallel_loop3A_255 = arith.addi %parallel_loop3A_253, %parallel_loop3A_254 : i32
          %parallel_loop3A_256 = vector.broadcast %parallel_loop3A_255 : i32 to vector<16xi32>
          %parallel_loop3A_257 = arith.cmpi eq, %iota3A, %parallel_loop3A_256 : vector<16xi32>
          %parallel_loop3A_258 = arith.constant true
          %parallel_loop3A_259 = vector.broadcast %parallel_loop3A_258 : i1 to vector<16xi1>
          %parallel_loop3A_260 = tpu.scan <sum>, %parallel_loop3A_251 masked %parallel_loop3A_259 : vector<16xf32>, vector<16xi1> -> vector<16xf32>
          %parallel_loop3A_261 = vector.extract %parallel_loop3A_260[15] : f32 from vector<16xf32>
          %parallel_loop3A_262 = vector.broadcast %parallel_loop3A_261 : f32 to vector<16xf32>
          %parallel_loop3A_263 = arith.addf %parallel_loop3A_181, %parallel_loop3A_262 : vector<16xf32>
          %parallel_loop3A_264 = arith.select %parallel_loop3A_257, %parallel_loop3A_263, %parallel_loop3A_181 : vector<16xi1>, vector<16xf32>
          %parallel_loop3A_265 = arith.constant 16 : i32
          %parallel_loop3A_266 = arith.muli %parallel_loop3A_83, %parallel_loop3A_265 : i32
          %parallel_loop3A_267 = arith.constant 4 : i32
          %parallel_loop3A_268 = arith.muli %scan3A_97, %parallel_loop3A_267 : i32
          %parallel_loop3A_269 = arith.addi %parallel_loop3A_266, %parallel_loop3A_268 : i32
          %parallel_loop3A_270 = arith.constant 2 : i32
          %parallel_loop3A_271 = arith.addi %parallel_loop3A_269, %parallel_loop3A_270 : i32
          %parallel_loop3A_272 = arith.index_cast %parallel_loop3A_271 : i32 to index
          %parallel_loop3A_273 = arith.constant 0 : index
          %parallel_loop3A_274 = tpu.vector_load %arg11[%parallel_loop3A_272, %parallel_loop3A_273] {strides = array<i32>} : memref<64x128xf32, #tpu.memory_space<vmem>>, vector<16xf32>,
          %parallel_loop3A_275 = arith.index_cast %parallel_loop3A_271 : i32 to index
          %parallel_loop3A_276 = arith.constant 0 : index
          %parallel_loop3A_277 = tpu.vector_load %arg13[%parallel_loop3A_275, %parallel_loop3A_276] {strides = array<i32>} : memref<64x128xf32, #tpu.memory_space<vmem>>, vector<16xf32>,
          %parallel_loop3A_278 = arith.mulf %parallel_loop3A_274, %parallel_loop3A_277 : vector<16xf32>
          %parallel_loop3A_279 = arith.index_cast %parallel_loop3A_271 : i32 to index
          %parallel_loop3A_280 = arith.constant 16 : index
          %parallel_loop3A_281 = tpu.vector_load %arg11[%parallel_loop3A_279, %parallel_loop3A_280] {strides = array<i32>} : memref<64x128xf32, #tpu.memory_space<vmem>>, vector<16xf32>,
          %parallel_loop3A_282 = arith.index_cast %parallel_loop3A_271 : i32 to index
          %parallel_loop3A_283 = arith.constant 16 : index
          %parallel_loop3A_284 = tpu.vector_load %arg13[%parallel_loop3A_282, %parallel_loop3A_283] {strides = array<i32>} : memref<64x128xf32, #tpu.memory_space<vmem>>, vector<16xf32>,
          %parallel_loop3A_285 = arith.mulf %parallel_loop3A_281, %parallel_loop3A_284 : vector<16xf32>
          %parallel_loop3A_286 = arith.addf %parallel_loop3A_278, %parallel_loop3A_285 : vector<16xf32>
          %parallel_loop3A_287 = arith.index_cast %parallel_loop3A_271 : i32 to index
          %parallel_loop3A_288 = arith.constant 32 : index
          %parallel_loop3A_289 = tpu.vector_load %arg11[%parallel_loop3A_287, %parallel_loop3A_288] {strides = array<i32>} : memref<64x128xf32, #tpu.memory_space<vmem>>, vector<16xf32>,
          %parallel_loop3A_290 = arith.index_cast %parallel_loop3A_271 : i32 to index
          %parallel_loop3A_291 = arith.constant 32 : index
          %parallel_loop3A_292 = tpu.vector_load %arg13[%parallel_loop3A_290, %parallel_loop3A_291] {strides = array<i32>} : memref<64x128xf32, #tpu.memory_space<vmem>>, vector<16xf32>,
          %parallel_loop3A_293 = arith.mulf %parallel_loop3A_289, %parallel_loop3A_292 : vector<16xf32>
          %parallel_loop3A_294 = arith.addf %parallel_loop3A_286, %parallel_loop3A_293 : vector<16xf32>
          %parallel_loop3A_295 = arith.index_cast %parallel_loop3A_271 : i32 to index
          %parallel_loop3A_296 = arith.constant 48 : index
          %parallel_loop3A_297 = tpu.vector_load %arg11[%parallel_loop3A_295, %parallel_loop3A_296] {strides = array<i32>} : memref<64x128xf32, #tpu.memory_space<vmem>>, vector<16xf32>,
          %parallel_loop3A_298 = arith.index_cast %parallel_loop3A_271 : i32 to index
          %parallel_loop3A_299 = arith.constant 48 : index
          %parallel_loop3A_300 = tpu.vector_load %arg13[%parallel_loop3A_298, %parallel_loop3A_299] {strides = array<i32>} : memref<64x128xf32, #tpu.memory_space<vmem>>, vector<16xf32>,
          %parallel_loop3A_301 = arith.mulf %parallel_loop3A_297, %parallel_loop3A_300 : vector<16xf32>
          %parallel_loop3A_302 = arith.addf %parallel_loop3A_294, %parallel_loop3A_301 : vector<16xf32>
          %parallel_loop3A_303 = arith.index_cast %parallel_loop3A_271 : i32 to index
          %parallel_loop3A_304 = arith.constant 64 : index
          %parallel_loop3A_305 = tpu.vector_load %arg11[%parallel_loop3A_303, %parallel_loop3A_304] {strides = array<i32>} : memref<64x128xf32, #tpu.memory_space<vmem>>, vector<16xf32>,
          %parallel_loop3A_306 = arith.index_cast %parallel_loop3A_271 : i32 to index
          %parallel_loop3A_307 = arith.constant 64 : index
          %parallel_loop3A_308 = tpu.vector_load %arg13[%parallel_loop3A_306, %parallel_loop3A_307] {strides = array<i32>} : memref<64x128xf32, #tpu.memory_space<vmem>>, vector<16xf32>,
          %parallel_loop3A_309 = arith.mulf %parallel_loop3A_305, %parallel_loop3A_308 : vector<16xf32>
          %parallel_loop3A_310 = arith.addf %parallel_loop3A_302, %parallel_loop3A_309 : vector<16xf32>
          %parallel_loop3A_311 = arith.index_cast %parallel_loop3A_271 : i32 to index
          %parallel_loop3A_312 = arith.constant 80 : index
          %parallel_loop3A_313 = tpu.vector_load %arg11[%parallel_loop3A_311, %parallel_loop3A_312] {strides = array<i32>} : memref<64x128xf32, #tpu.memory_space<vmem>>, vector<16xf32>,
          %parallel_loop3A_314 = arith.index_cast %parallel_loop3A_271 : i32 to index
          %parallel_loop3A_315 = arith.constant 80 : index
          %parallel_loop3A_316 = tpu.vector_load %arg13[%parallel_loop3A_314, %parallel_loop3A_315] {strides = array<i32>} : memref<64x128xf32, #tpu.memory_space<vmem>>, vector<16xf32>,
          %parallel_loop3A_317 = arith.mulf %parallel_loop3A_313, %parallel_loop3A_316 : vector<16xf32>
          %parallel_loop3A_318 = arith.addf %parallel_loop3A_310, %parallel_loop3A_317 : vector<16xf32>
          %parallel_loop3A_319 = arith.index_cast %parallel_loop3A_271 : i32 to index
          %parallel_loop3A_320 = arith.constant 96 : index
          %parallel_loop3A_321 = tpu.vector_load %arg11[%parallel_loop3A_319, %parallel_loop3A_320] {strides = array<i32>} : memref<64x128xf32, #tpu.memory_space<vmem>>, vector<16xf32>,
          %parallel_loop3A_322 = arith.index_cast %parallel_loop3A_271 : i32 to index
          %parallel_loop3A_323 = arith.constant 96 : index
          %parallel_loop3A_324 = tpu.vector_load %arg13[%parallel_loop3A_322, %parallel_loop3A_323] {strides = array<i32>} : memref<64x128xf32, #tpu.memory_space<vmem>>, vector<16xf32>,
          %parallel_loop3A_325 = arith.mulf %parallel_loop3A_321, %parallel_loop3A_324 : vector<16xf32>
          %parallel_loop3A_326 = arith.addf %parallel_loop3A_318, %parallel_loop3A_325 : vector<16xf32>
          %parallel_loop3A_327 = arith.index_cast %parallel_loop3A_271 : i32 to index
          %parallel_loop3A_328 = arith.constant 112 : index
          %parallel_loop3A_329 = tpu.vector_load %arg11[%parallel_loop3A_327, %parallel_loop3A_328] {strides = array<i32>} : memref<64x128xf32, #tpu.memory_space<vmem>>, vector<16xf32>,
          %parallel_loop3A_330 = arith.index_cast %parallel_loop3A_271 : i32 to index
          %parallel_loop3A_331 = arith.constant 112 : index
          %parallel_loop3A_332 = tpu.vector_load %arg13[%parallel_loop3A_330, %parallel_loop3A_331] {strides = array<i32>} : memref<64x128xf32, #tpu.memory_space<vmem>>, vector<16xf32>,
          %parallel_loop3A_333 = arith.mulf %parallel_loop3A_329, %parallel_loop3A_332 : vector<16xf32>
          %parallel_loop3A_334 = arith.addf %parallel_loop3A_326, %parallel_loop3A_333 : vector<16xf32>
          %parallel_loop3A_335 = arith.constant 4 : i32
          %parallel_loop3A_336 = arith.muli %scan3A_97, %parallel_loop3A_335 : i32
          %parallel_loop3A_337 = arith.constant 2 : i32
          %parallel_loop3A_338 = arith.addi %parallel_loop3A_336, %parallel_loop3A_337 : i32
          %parallel_loop3A_339 = vector.broadcast %parallel_loop3A_338 : i32 to vector<16xi32>
          %parallel_loop3A_340 = arith.cmpi eq, %iota3A, %parallel_loop3A_339 : vector<16xi32>
          %parallel_loop3A_341 = arith.constant true
          %parallel_loop3A_342 = vector.broadcast %parallel_loop3A_341 : i1 to vector<16xi1>
          %parallel_loop3A_343 = tpu.scan <sum>, %parallel_loop3A_334 masked %parallel_loop3A_342 : vector<16xf32>, vector<16xi1> -> vector<16xf32>
          %parallel_loop3A_344 = vector.extract %parallel_loop3A_343[15] : f32 from vector<16xf32>
          %parallel_loop3A_345 = vector.broadcast %parallel_loop3A_344 : f32 to vector<16xf32>
          %parallel_loop3A_346 = arith.addf %parallel_loop3A_264, %parallel_loop3A_345 : vector<16xf32>
          %parallel_loop3A_347 = arith.select %parallel_loop3A_340, %parallel_loop3A_346, %parallel_loop3A_264 : vector<16xi1>, vector<16xf32>
          %parallel_loop3A_348 = arith.constant 16 : i32
          %parallel_loop3A_349 = arith.muli %parallel_loop3A_83, %parallel_loop3A_348 : i32
          %parallel_loop3A_350 = arith.constant 4 : i32
          %parallel_loop3A_351 = arith.muli %scan3A_97, %parallel_loop3A_350 : i32
          %parallel_loop3A_352 = arith.addi %parallel_loop3A_349, %parallel_loop3A_351 : i32
          %parallel_loop3A_353 = arith.constant 3 : i32
          %parallel_loop3A_354 = arith.addi %parallel_loop3A_352, %parallel_loop3A_353 : i32
          %parallel_loop3A_355 = arith.index_cast %parallel_loop3A_354 : i32 to index
          %parallel_loop3A_356 = arith.constant 0 : index
          %parallel_loop3A_357 = tpu.vector_load %arg11[%parallel_loop3A_355, %parallel_loop3A_356] {strides = array<i32>} : memref<64x128xf32, #tpu.memory_space<vmem>>, vector<16xf32>,
          %parallel_loop3A_358 = arith.index_cast %parallel_loop3A_354 : i32 to index
          %parallel_loop3A_359 = arith.constant 0 : index
          %parallel_loop3A_360 = tpu.vector_load %arg13[%parallel_loop3A_358, %parallel_loop3A_359] {strides = array<i32>} : memref<64x128xf32, #tpu.memory_space<vmem>>, vector<16xf32>,
          %parallel_loop3A_361 = arith.mulf %parallel_loop3A_357, %parallel_loop3A_360 : vector<16xf32>
          %parallel_loop3A_362 = arith.index_cast %parallel_loop3A_354 : i32 to index
          %parallel_loop3A_363 = arith.constant 16 : index
          %parallel_loop3A_364 = tpu.vector_load %arg11[%parallel_loop3A_362, %parallel_loop3A_363] {strides = array<i32>} : memref<64x128xf32, #tpu.memory_space<vmem>>, vector<16xf32>,
          %parallel_loop3A_365 = arith.index_cast %parallel_loop3A_354 : i32 to index
          %parallel_loop3A_366 = arith.constant 16 : index
          %parallel_loop3A_367 = tpu.vector_load %arg13[%parallel_loop3A_365, %parallel_loop3A_366] {strides = array<i32>} : memref<64x128xf32, #tpu.memory_space<vmem>>, vector<16xf32>,
          %parallel_loop3A_368 = arith.mulf %parallel_loop3A_364, %parallel_loop3A_367 : vector<16xf32>
          %parallel_loop3A_369 = arith.addf %parallel_loop3A_361, %parallel_loop3A_368 : vector<16xf32>
          %parallel_loop3A_370 = arith.index_cast %parallel_loop3A_354 : i32 to index
          %parallel_loop3A_371 = arith.constant 32 : index
          %parallel_loop3A_372 = tpu.vector_load %arg11[%parallel_loop3A_370, %parallel_loop3A_371] {strides = array<i32>} : memref<64x128xf32, #tpu.memory_space<vmem>>, vector<16xf32>,
          %parallel_loop3A_373 = arith.index_cast %parallel_loop3A_354 : i32 to index
          %parallel_loop3A_374 = arith.constant 32 : index
          %parallel_loop3A_375 = tpu.vector_load %arg13[%parallel_loop3A_373, %parallel_loop3A_374] {strides = array<i32>} : memref<64x128xf32, #tpu.memory_space<vmem>>, vector<16xf32>,
          %parallel_loop3A_376 = arith.mulf %parallel_loop3A_372, %parallel_loop3A_375 : vector<16xf32>
          %parallel_loop3A_377 = arith.addf %parallel_loop3A_369, %parallel_loop3A_376 : vector<16xf32>
          %parallel_loop3A_378 = arith.index_cast %parallel_loop3A_354 : i32 to index
          %parallel_loop3A_379 = arith.constant 48 : index
          %parallel_loop3A_380 = tpu.vector_load %arg11[%parallel_loop3A_378, %parallel_loop3A_379] {strides = array<i32>} : memref<64x128xf32, #tpu.memory_space<vmem>>, vector<16xf32>,
          %parallel_loop3A_381 = arith.index_cast %parallel_loop3A_354 : i32 to index
          %parallel_loop3A_382 = arith.constant 48 : index
          %parallel_loop3A_383 = tpu.vector_load %arg13[%parallel_loop3A_381, %parallel_loop3A_382] {strides = array<i32>} : memref<64x128xf32, #tpu.memory_space<vmem>>, vector<16xf32>,
          %parallel_loop3A_384 = arith.mulf %parallel_loop3A_380, %parallel_loop3A_383 : vector<16xf32>
          %parallel_loop3A_385 = arith.addf %parallel_loop3A_377, %parallel_loop3A_384 : vector<16xf32>
          %parallel_loop3A_386 = arith.index_cast %parallel_loop3A_354 : i32 to index
          %parallel_loop3A_387 = arith.constant 64 : index
          %parallel_loop3A_388 = tpu.vector_load %arg11[%parallel_loop3A_386, %parallel_loop3A_387] {strides = array<i32>} : memref<64x128xf32, #tpu.memory_space<vmem>>, vector<16xf32>,
          %parallel_loop3A_389 = arith.index_cast %parallel_loop3A_354 : i32 to index
          %parallel_loop3A_390 = arith.constant 64 : index
          %parallel_loop3A_391 = tpu.vector_load %arg13[%parallel_loop3A_389, %parallel_loop3A_390] {strides = array<i32>} : memref<64x128xf32, #tpu.memory_space<vmem>>, vector<16xf32>,
          %parallel_loop3A_392 = arith.mulf %parallel_loop3A_388, %parallel_loop3A_391 : vector<16xf32>
          %parallel_loop3A_393 = arith.addf %parallel_loop3A_385, %parallel_loop3A_392 : vector<16xf32>
          %parallel_loop3A_394 = arith.index_cast %parallel_loop3A_354 : i32 to index
          %parallel_loop3A_395 = arith.constant 80 : index
          %parallel_loop3A_396 = tpu.vector_load %arg11[%parallel_loop3A_394, %parallel_loop3A_395] {strides = array<i32>} : memref<64x128xf32, #tpu.memory_space<vmem>>, vector<16xf32>,
          %parallel_loop3A_397 = arith.index_cast %parallel_loop3A_354 : i32 to index
          %parallel_loop3A_398 = arith.constant 80 : index
          %parallel_loop3A_399 = tpu.vector_load %arg13[%parallel_loop3A_397, %parallel_loop3A_398] {strides = array<i32>} : memref<64x128xf32, #tpu.memory_space<vmem>>, vector<16xf32>,
          %parallel_loop3A_400 = arith.mulf %parallel_loop3A_396, %parallel_loop3A_399 : vector<16xf32>
          %parallel_loop3A_401 = arith.addf %parallel_loop3A_393, %parallel_loop3A_400 : vector<16xf32>
          %parallel_loop3A_402 = arith.index_cast %parallel_loop3A_354 : i32 to index
          %parallel_loop3A_403 = arith.constant 96 : index
          %parallel_loop3A_404 = tpu.vector_load %arg11[%parallel_loop3A_402, %parallel_loop3A_403] {strides = array<i32>} : memref<64x128xf32, #tpu.memory_space<vmem>>, vector<16xf32>,
          %parallel_loop3A_405 = arith.index_cast %parallel_loop3A_354 : i32 to index
          %parallel_loop3A_406 = arith.constant 96 : index
          %parallel_loop3A_407 = tpu.vector_load %arg13[%parallel_loop3A_405, %parallel_loop3A_406] {strides = array<i32>} : memref<64x128xf32, #tpu.memory_space<vmem>>, vector<16xf32>,
          %parallel_loop3A_408 = arith.mulf %parallel_loop3A_404, %parallel_loop3A_407 : vector<16xf32>
          %parallel_loop3A_409 = arith.addf %parallel_loop3A_401, %parallel_loop3A_408 : vector<16xf32>
          %parallel_loop3A_410 = arith.index_cast %parallel_loop3A_354 : i32 to index
          %parallel_loop3A_411 = arith.constant 112 : index
          %parallel_loop3A_412 = tpu.vector_load %arg11[%parallel_loop3A_410, %parallel_loop3A_411] {strides = array<i32>} : memref<64x128xf32, #tpu.memory_space<vmem>>, vector<16xf32>,
          %parallel_loop3A_413 = arith.index_cast %parallel_loop3A_354 : i32 to index
          %parallel_loop3A_414 = arith.constant 112 : index
          %parallel_loop3A_415 = tpu.vector_load %arg13[%parallel_loop3A_413, %parallel_loop3A_414] {strides = array<i32>} : memref<64x128xf32, #tpu.memory_space<vmem>>, vector<16xf32>,
          %parallel_loop3A_416 = arith.mulf %parallel_loop3A_412, %parallel_loop3A_415 : vector<16xf32>
          %parallel_loop3A_417 = arith.addf %parallel_loop3A_409, %parallel_loop3A_416 : vector<16xf32>
          %parallel_loop3A_418 = arith.constant 4 : i32
          %parallel_loop3A_419 = arith.muli %scan3A_97, %parallel_loop3A_418 : i32
          %parallel_loop3A_420 = arith.constant 3 : i32
          %parallel_loop3A_421 = arith.addi %parallel_loop3A_419, %parallel_loop3A_420 : i32
          %parallel_loop3A_422 = vector.broadcast %parallel_loop3A_421 : i32 to vector<16xi32>
          %parallel_loop3A_423 = arith.cmpi eq, %iota3A, %parallel_loop3A_422 : vector<16xi32>
          %parallel_loop3A_424 = arith.constant true
          %parallel_loop3A_425 = vector.broadcast %parallel_loop3A_424 : i1 to vector<16xi1>
          %parallel_loop3A_426 = tpu.scan <sum>, %parallel_loop3A_417 masked %parallel_loop3A_425 : vector<16xf32>, vector<16xi1> -> vector<16xf32>
          %parallel_loop3A_427 = vector.extract %parallel_loop3A_426[15] : f32 from vector<16xf32>
          %parallel_loop3A_428 = vector.broadcast %parallel_loop3A_427 : f32 to vector<16xf32>
          %parallel_loop3A_429 = arith.addf %parallel_loop3A_347, %parallel_loop3A_428 : vector<16xf32>
          %parallel_loop3A_430 = arith.select %parallel_loop3A_423, %parallel_loop3A_429, %parallel_loop3A_347 : vector<16xi1>, vector<16xf32>
          scf.yield %parallel_loop3A_430 : vector<16xf32>
        }
        %parallel_loop3A_89 = arith.constant 4 : i32
        %parallel_loop3A_90 = arith.constant 64 : i32
        %parallel_loop3A_91 = arith.muli %add3A_61, %parallel_loop3A_90 : i32
        %parallel_loop3A_92 = arith.constant 16 : i32
        %parallel_loop3A_93 = arith.muli %parallel_loop3A_83, %parallel_loop3A_92 : i32
        %parallel_loop3A_94 = arith.addi %parallel_loop3A_91, %parallel_loop3A_93 : i32
        %parallel_loop3A_95 = arith.index_cast %parallel_loop3A_94 : i32 to index
        %parallel_loop3A_96 = tpu.vector_load %arg14[%parallel_loop3A_95] {strides = array<i32>} : memref<512xf32, #tpu.memory_space<vmem>>, vector<16xf32>,
        tpu.vector_store %arg14[%parallel_loop3A_95], %parallel_loop3A_88 {strides = array<i32>} : memref<512xf32, #tpu.memory_space<vmem>>, vector<16xf32>,
      } {sc.loop_unroll_factor = 1 : i64, sc.parallel_access}
      %lt3A_77 = arith.constant 3 : i32
      %lt3A_78 = arith.cmpi slt, %scan3A_36, %lt3A_77 : i32
      %convert_element_type3A_79 = arith.extui %lt3A_78 : i1 to i32
      %cond3A_80 = arith.constant 0 : i32
      %cond3A_81 = arith.cmpi ne, %convert_element_type3A_79, %cond3A_80 : i32
      scf.if %cond3A_81 {
        %add3A_83 = arith.constant 2 : i32
        %add3A_84 = arith.addi %add3A_61, %add3A_83 : i32
        %mul3A_85 = arith.constant 64 : i32
        %mul3A_86 = arith.muli %add3A_84, %mul3A_85 : i32
        %mul3A_87 = arith.constant 64 : i32
        %mul3A_88 = arith.muli %add3A_84, %mul3A_87 : i32
        %dma_start3A_89 = tpu.memref_slice %arg8[%mul3A_86] : memref<512xi32, #tpu.memory_space<vmem>> -> memref<64xi32, #tpu.memory_space<vmem>>
        %dma_start3A_90 = arith.constant 0 : i32
        %dma_start3A_91 = arith.constant 0 : i32
        %dma_start3A_92 = tpu.memref_slice %arg4[%dma_start3A_90, %dma_start3A_91] : memref<1000000x128xf32, #tpu.memory_space<hbm>> -> memref<1000000x128xf32, #tpu.memory_space<hbm>>
        tpu.enqueue_indirect_dma source(%dma_start3A_92 : memref<1000000x128xf32, #tpu.memory_space<hbm>>) target(%arg11 : memref<64x128xf32, #tpu.memory_space<vmem>>) offsets(%dma_start3A_89 : memref<64xi32, #tpu.memory_space<vmem>>) semaphore(%arg17 : memref<!tpu.dma_semaphore, #tpu.memory_space<semaphore_mem>>)
        %dma_start3A_93 = tpu.memref_slice %arg9[%mul3A_88] : memref<512xi32, #tpu.memory_space<vmem>> -> memref<64xi32, #tpu.memory_space<vmem>>
        %dma_start3A_94 = arith.constant 0 : i32
        %dma_start3A_95 = arith.constant 0 : i32
        %dma_start3A_96 = tpu.memref_slice %arg5[%dma_start3A_94, %dma_start3A_95] : memref<1000000x128xf32, #tpu.memory_space<hbm>> -> memref<1000000x128xf32, #tpu.memory_space<hbm>>
        tpu.enqueue_indirect_dma source(%dma_start3A_96 : memref<1000000x128xf32, #tpu.memory_space<hbm>>) target(%arg13 : memref<64x128xf32, #tpu.memory_space<vmem>>) offsets(%dma_start3A_93 : memref<64xi32, #tpu.memory_space<vmem>>) semaphore(%arg17 : memref<!tpu.dma_semaphore, #tpu.memory_space<semaphore_mem>>)
      } else {
      }
      %scan3A_82 = arith.constant 0 : i32
      scf.yield %scan3A_82 : i32
    }
    %scan3A_35 = arith.constant 4 : i32
    "tpu.region"() ({
      %run_scoped3A = tpu.sem_alloc : memref<!tpu.dma_semaphore, #tpu.memory_space<semaphore_mem>>
      %dma_start3A_36 = tpu.memref_slice %arg7[%mul3A_2] : memref<16384xf32, #tpu.memory_space<hbm>> -> memref<512xf32, #tpu.memory_space<hbm>>
      %dma_start3A_37 = tpu.memref_slice %arg7[%mul3A_2] : memref<16384xf32, #tpu.memory_space<hbm>> -> memref<512xf32, #tpu.memory_space<hbm>>
      tpu.enqueue_dma source(%arg14 : memref<512xf32, #tpu.memory_space<vmem>>) target(%dma_start3A_37 : memref<512xf32, #tpu.memory_space<hbm>>) target_semaphore(%run_scoped3A : memref<!tpu.dma_semaphore, #tpu.memory_space<semaphore_mem>>)
      %dma_wait3A_38 = tpu.memref_slice %arg7[%mul3A_2] : memref<16384xf32, #tpu.memory_space<hbm>> -> memref<512xf32, #tpu.memory_space<hbm>>
      %dma_wait3A_39 = tpu.memref_slice %arg7[%mul3A_2] : memref<16384xf32, #tpu.memory_space<hbm>> -> memref<512xf32, #tpu.memory_space<hbm>>
      tpu.wait_dma2 semaphore(%run_scoped3A : memref<!tpu.dma_semaphore, #tpu.memory_space<semaphore_mem>>) src(%arg14 : memref<512xf32, #tpu.memory_space<vmem>>) dst(%dma_wait3A_39 : memref<512xf32, #tpu.memory_space<hbm>>)
      tpu.yield
    }) : () -> ()
    return
  }
}

</mosaic_0001>

<sc_bundles>
// kernel: kernel.3.cloned.1.call-start
scs
__scs_entry_jumppad:
0x0: {  	(pc) =	sbr.rel $0x88, $3  }
0x1: {  	(tag) =	ssettag $0x0;
	lr =	simm.s32 $0x1  }
0x2: {  	[smem:$0x3F9C] =	sst lr;
	_ =	strace $0xD0000000  }
0x3: {  	_ = 	snop  }
0x4: {  	_ = 	snop  }
0x5: {  	_ = 	snop  }
0x6: {  	_ = 	snop  }
0x7: {  	_ = 	snop  }
__scs_overlays_trampoline_lowered:
0x8: {  	[smem:$0x3FAB] =	sst s0  }
0x9: {  	[smem:$0x3FAC] =	sst s1  }
0xa: {  	[smem:$0x3FAD] =	sst s2  }
0xb: {  	[smem:$0x3FAE] =	sst s3  }
0xc: {  	[smem:$0x3FAF] =	sst s4  }
0xd: {  	[smem:$0x3FB0] =	sst s5  }
0xe: {  	[smem:$0x3FB1] =	sst s6  }
0xf: {  	[smem:$0x3FB2] =	sst s7  }
0x10: {  	[smem:$0x3FB3] =	sst s8  }
0x11: {  	[smem:$0x3FB4] =	sst s9;
	s0 =	simm.s32 @!p0 $0x0  }
0x12: {  	s1 =	sld [smem:$0x3F9A];
	s0 =	simm.s32 @p0 $0x1  }
0x13: {  	[smem:$0x3FB5] =	sst s0;
	s0 =	simm.s32 @!p1 $0x0  }
0x14: {  	s2 =	sld [smem:$0x3F99];
	s0 =	simm.s32 @p1 $0x1  }
0x15: {  	[smem:$0x3FB6] =	sst s0;
	s0 =	simm.s32 @!p2 $0x0  }
0x16: {  	s3 =	sld [smem:$0x3FDB];
	s0 =	simm.s32 @p2 $0x1  }
0x17: {  	s4 =	simm.s32 $0x1BF5;
	[smem:$0x3FB8] =	sst s0  }
0x18: {  	s0 =	sld [smem:$0x3F9B];
	_ =	swait.ge [sflag:s4], $0x0  }
0x19: {  	s7 =	sld [smem:$0x3F9C]  }
0x1a: {  	s8 =	sadd.s32 $0xFFFFE003, lr  }
0x1b: {  	s9 =	sadd.s32 $0xFFFFFEF7, lr;
	s5 =	simm.s32 $0xFFFFFFFF;
	p2 =	slt.u32 s8, $0xFFFFF086  }
0x1c: {  	p1 =	slt.u32 s9, $0xF7A;
	s5 =	simm.s32 @!p2 $0x0  }
0x1d: {  	s5 =	simm.s32 @p1 $0x1;
	p0 =	seq.s32 s7, s2  }
0x1e: {  	s7 =	smul.u32 @!p0 $0xF7A, s2;
	p2 =	seq.s32 @!p0 s5, $0x0  }
0x1f: {  	s9 =	smul.u32 $0xF7A, s1;
	s8 =	simm.s32 @!p0 $0x1BF5;
	p2 =	por !p2, p0  }
0x20: {  	[sflag:s8] =	ssyncset.s32 @!p0 $0xFFFFF086;
	s6 =	sadd.s32 @!p0 s3, s7;
	s7 =	simm.s32 @!p0 $0x108  }
0x21: {  	s3 =	sadd.s32 s3, s9;
	s6 =	sadd.s32 @!p0 $0x88, s6;
	s7 =	simm.s32 @p2 $0x1082  }
0x22: {  	[simem:s7], [sflag:s8] =	dma.local @!p0 [hbm:s6], $0xF7A  }
0x23: {  	s9 =	sor.u32 $0xD0000000, s2;
	s6 =	simm.s32 $0x108;
	_ =	swait.ge @!p0 [sflag:s8], $0x0  }
0x24: {  	s3 =	sadd.s32 $0x88, s3;
	s6 =	simm.s32 @!p1 $0x1082;
	[sflag:s4] =	ssyncset.s32 $0xFFFFF086  }
0x25: {  	[simem:s6], [sflag:s4] =	dma.local [hbm:s3], $0xF7A  }
0x26: {  	[smem:$0x3F9C] =	sst s1;
	(tag) =	ssettag s2;
	_ =	strace s9  }
0x27: {  	s1 =	sld [smem:$0x3FAC]  }
0x28: {  	s2 =	sld [smem:$0x3FAD]  }
0x29: {  	s4 =	sld [smem:$0x3FAF]  }
0x2a: {  	p0 =	seq.s32 s5, $0x0;
	s5 =	sld [smem:$0x3FB0]  }
0x2b: {  	s6 =	sld [smem:$0x3FB1]  }
0x2c: {  	s7 =	sld [smem:$0x3FB2]  }
0x2d: {  	s3 =	simm.s32 $0x108;
	s8 =	sld [smem:$0x3FB3]  }
0x2e: {  	s3 =	simm.s32 @!p0 $0x1082;
	s9 =	sld [smem:$0x3FB4]  }
0x2f: {  	lr =	sadd.s32 s0, s3;
	s0 =	sld [smem:$0x3FAB]  }
0x30: {  	s3 =	sld [smem:$0x3FAE]  }
0x31: {  	[smem:$0x3FB7] =	sst s10  }
0x32: {  	s10 =	sld [smem:$0x3FB5];
	_ =	sdelay $0x3  }
0x33: {  	p0 =	seq.s32 s10, $0x1;
	s10 =	sld [smem:$0x3FB7];
	_ =	sdelay $0x3  }
0x34: {  	[smem:$0x3FB7] =	sst s10  }
0x35: {  	s10 =	sld [smem:$0x3FB6];
	_ =	sdelay $0x3  }
0x36: {  	p1 =	seq.s32 s10, $0x1;
	s10 =	sld [smem:$0x3FB7];
	_ =	sdelay $0x3  }
0x37: {  	[smem:$0x3FB7] =	sst s10  }
0x38: {  	s10 =	sld [smem:$0x3FB8]  }
0x39: {  	_ = 	snop;
	(pc) =	sbr.ind lr, $3  }
0x3a: {  	_ = 	snop  }
0x3b: {  	_ = 	snop  }
0x3c: {  	p2 =	seq.s32 s10, $0x1;
	s10 =	sld [smem:$0x3FB7]  }
0x3d: {  	_ =	shalt  }
0x3e: {  	_ =	shalt  }
0x3f: {  	_ =	shalt  }
0x40: {  	_ =	shalt  }
0x41: {  	_ =	shalt  }
0x42: {  	_ =	shalt  }
0x43: {  	_ =	shalt  }
0x44: {  	_ =	shalt  }
0x45: {  	_ =	shalt  }
0x46: {  	_ =	shalt  }
0x47: {  	_ =	shalt  }
0x48: {  	_ =	shalt  }
0x49: {  	_ =	shalt  }
0x4a: {  	_ =	shalt  }
0x4b: {  	_ =	shalt  }
0x4c: {  	_ =	shalt  }
0x4d: {  	_ =	shalt  }
0x4e: {  	_ =	shalt  }
0x4f: {  	_ =	shalt  }
0x50: {  	_ =	shalt  }
0x51: {  	_ =	shalt  }
0x52: {  	_ =	shalt  }
0x53: {  	_ =	shalt  }
0x54: {  	_ =	shalt  }
0x55: {  	_ =	shalt  }
0x56: {  	_ =	shalt  }
0x57: {  	_ =	shalt  }
0x58: {  	_ =	shalt  }
0x59: {  	_ =	shalt  }
0x5a: {  	_ =	shalt  }
0x5b: {  	_ =	shalt  }
0x5c: {  	_ =	shalt  }
0x5d: {  	_ =	shalt  }
0x5e: {  	_ =	shalt  }
0x5f: {  	_ =	shalt  }
0x60: {  	_ =	shalt  }
0x61: {  	_ =	shalt  }
0x62: {  	_ =	shalt  }
0x63: {  	_ =	shalt  }
0x64: {  	_ =	shalt  }
0x65: {  	_ =	shalt  }
0x66: {  	_ =	shalt  }
0x67: {  	_ =	shalt  }
0x68: {  	_ =	shalt  }
0x69: {  	_ =	shalt  }
0x6a: {  	_ =	shalt  }
0x6b: {  	_ =	shalt  }
0x6c: {  	_ =	shalt  }
0x6d: {  	_ =	shalt  }
0x6e: {  	_ =	shalt  }
0x6f: {  	_ =	shalt  }
0x70: {  	_ =	shalt  }
0x71: {  	_ =	shalt  }
0x72: {  	_ =	shalt  }
0x73: {  	_ =	shalt  }
0x74: {  	_ =	shalt  }
0x75: {  	_ =	shalt  }
0x76: {  	_ =	shalt  }
0x77: {  	_ =	shalt  }
0x78: {  	_ =	shalt  }
0x79: {  	_ =	shalt  }
0x7a: {  	_ =	shalt  }
0x7b: {  	_ =	shalt  }
0x7c: {  	_ =	shalt  }
0x7d: {  	_ =	shalt  }
0x7e: {  	_ =	shalt  }
0x7f: {  	_ =	shalt  }
0x80: {  	_ =	shalt  }
0x81: {  	_ =	shalt  }
0x82: {  	_ =	shalt  }
0x83: {  	_ =	shalt  }
0x84: {  	_ =	shalt  }
0x85: {  	_ =	shalt  }
0x86: {  	_ =	shalt  }
0x87: {  	_ =	shalt  }
.Lfunc_end0:
.L_simem_size_0:
called_computation_lowered:
.L_overlay_start_0:
0x88: {  	s2 =	sld [smem:$0x3FD9]  }
0x89: {  	s3 =	sld [smem:$0x3FFE];
	_ =	sdelay $0x1  }
0x8a: {  	s1 =	srdreg.scid  }
0x8b: {  	s0 =	sand.u32 $0x1, s1  }
0x8c: {  	s17 =	sshll.u32 s0, $0xA;
	s2 =	sadd.s32 s3, s2  }
0x8d: {  	s2 =	sadd.s32 s2, s17  }
0x8e: {  	[smem:$0x3FC3] =	sst s2  }
0x8f: {  	_ = 	snop  }
0x90: {  	s2 =	sld [smem:$0x3FC9]  }
0x91: {  	s18 =	sld [smem:$0x3FC8]  }
0x92: {  	s4 =	sld [smem:$0x3FC7]  }
0x93: {  	s5 =	sld [smem:$0x3FC6]  }
0x94: {  	s6 =	sld [smem:$0x3FD0];
	(tm) =	ssettm $0x1  }
0x95: {  	s7 =	sld [smem:$0x3FFB];
	_ =	sdelay $0x3  }
0x96: {  	_ =	strace s7  }
0x97: {  	s7 =	sld [smem:$0x3FFC];
	_ =	sdelay $0x3  }
0x98: {  	_ =	strace s7  }
0x99: {  	s7 =	sld [smem:$0x3FFD];
	_ =	sdelay $0x3  }
0x9a: {  	_ =	strace s7  }
0x9b: {  	_ =	strace $0x8FFFFFFF  }
0x9c: {  	s19 =	sld [smem:$0x3FDB];
	_ =	sdelay $0x1  }
0x9d: {  	s8 =	simm.s32 $_scs_section_size  }
0x9e: {  	s9 =	simm.s32 $_size__tile_overlayer_lowered;
	s10 =	simm.s32 $_tile_overlayer_lowered  }
0x9f: {  	s22 =	simm.s32 $0x1BFF;
	s21 =	sshll.u32 s10, $0x1;
	s7 =	sadd.s32 s8, s19  }
0xa0: {  	s11 =	simm.s32 $0x0;
	s20 =	sshll.u32 s9, $0x1;
	s9 =	sadd.s32 s21, s7  }
0xa1: {  	[timem:s11], [sflag:s22] =	dma.local [hbm:s9], s20  }
0xa2: {  	_ =	swait.ge [sflag:s22], s20  }
0xa3: {  	s8 =	ssub.s32 $0x0, s20;
	[sflag:s22] =	ssyncset.done $0x0  }
0xa4: {  	[sflag:s22] =	ssyncadd.s32 s8;
	_ =	sdelay $0x1  }
0xa5: {  	s23 =	simm.s32 $0x1B8B  }
0xa6: {  	_ =	swait.ge [sflag:s23], $0x1  }
0xa7: {  	[sflag:s23] =	ssyncset.done $0x0  }
0xa8: {  	s25 =	simm.s32 $0x1B8E;
	s24 =	sld [smem:$0x3FFE];
	[sflag:s23] =	ssyncadd.s32 $0xFFFFFFFF  }
0xa9: {  	s26 =	simm.s32 $execute0_lowered;
	[smem:$0x3FD2] =	sst s25  }
0xaa: {  	s9 =	sshll.u32 s26, $0x1;
	_ =	strace $0x80000046;
	[dreg:$0x1] =	wrdreg $0xFFFFFFFF  }
0xab: {  	s28 =	simm.s32 $_size_execute0_lowered;
	s7 =	sadd.s32 s7, s9;
	[dreg:$0x0] =	wrdreg $0x0  }
0xac: {  	s9 =	sshll.u32 s28, $0x1;
	[dreg:$0x2] =	wrdreg s7  }
0xad: {  	[dreg:$0x3] =	wrdreg s9  }
0xae: {  	[dreg:$0x4] =	wrdreg $0xC0  }
0xaf: {  	_ =	task [dreg:s11], $0x5FFFF  }
0xb0: {  	[dreg:$0x1] =	wrdreg $0xFFFFFFFF  }
0xb1: {  	[dreg:$0x0] =	wrdreg $0x60  }
0xb2: {  	[dreg:$0x2] =	wrdreg s2  }
0xb3: {  	[dreg:$0x3] =	wrdreg s18  }
0xb4: {  	[dreg:$0x4] =	wrdreg s4  }
0xb5: {  	[dreg:$0x5] =	wrdreg s5  }
0xb6: {  	[dreg:$0x6] =	wrdreg s24  }
0xb7: {  	[dreg:$0x7] =	wrdreg s6  }
0xb8: {  	[dreg:$0x8] =	wrdreg $0x9  }
0xb9: {  	_ =	task.clear_ibuf [dreg:s11], $0x9FFFF;
	_ =	strace $0x90000046  }
0xba: {  	s29 =	simm.s32 $0x9;
	_ =	strace $0x80000048  }
0xbb: {  	_ =	swait.ge [sflag:s29], $0x1  }
0xbc: {  	[sflag:s29] =	ssyncadd.s32 $0xFFFFFFFF  }
0xbd: {  	_ =	strace $0x90000048  }
0xbe: {  	_ =	sfence  }
0xbf: {  	s30 =	sld [smem:$0x0];
	_ =	sdelay $0x2  }
0xc0: {  	s31 =	sshll.u32 s1, $0xD;
	s1 =	sshrl.u32 s1, $0x2  }
0xc1: {  	s3 =	sand.u32 $0x4000, s31;
	s1 =	sadd.s32 s1, s30  }
0xc2: {  	s0 =	sor.u32 s3, s0;
	s1 =	sshll.u32 s1, $0x11  }
0xc3: {  	s0 =	sor.u32 s1, s0  }
0xc4: {  	s0 =	sadd.s32 $0x8F2B, s0  }
0xc5: {  	[sflag:s0] =	ssyncadd.remote.s32 $0x1  }
0xc6: {  	_ =	sfence.sel $0xFFFF  }
0xc7: {  	[dreg:$0x0] =	wrdreg $0xFFFFFFFF;
	(pc) =	sbr.abs _section_cstart, $3  }
0xc8: {  	[dreg:$0x1] =	wrdreg $0xFFFFFFFF  }
0xc9: {  	_ =	task.clear_ibuf [dreg:s11], $0x2FFFF;
	_ =	strace $0x9FFFFFFF  }
0xca: {  	(tm) =	ssettm $0x7FFFFFFF  }
0xcb: {  	_ =	shalt  }
tec
execute0_lowered:
.L_overlay_start_1:
0x0: {  	(tag) =	ssettag $0x1  }
0x1: {  	s0 =	rddreg [dreg:$0x0]  }
0x2: {  	s3 =	rddreg [dreg:$0x1]  }
0x3: {  	s1 =	rddreg [dreg:$0x2]  }
0x4: {  	s2 =	rddreg [dreg:$0x3]  }
0x5: {  	s5 =	rddreg [dreg:$0x4]  }
0x6: {  	s8 =	rddreg [dreg:$0x5]  }
0x7: {  	s4 =	simm.s32 $0x0;
	s6 =	srdreg.scid;
	s9 =	stileid.u32  }
0x8: {  	s11 =	simm.s32 $0x200;
	s12 =	simm.s32 $0x1;
	s13 =	simm.s32 $0x40  }
0x9: {  	s14 =	simm.s32 $0x400;
	s15 =	simm.s32 $0x4400;
	s16 =	simm.s32 $0x2400  }
0xa: {  	s17 =	simm.s32 $0x240;
	s18 =	simm.s32 $0x6400;
	s19 =	simm.s32 $0x2  }
0xb: {  	s20 =	simm.s32 $0x8400;
	s21 =	simm.s32 $0x3;
	s22 =	simm.s32 $0x0  }
.Ltmp0:
0xc: {  	[smem:$0x7FF] =	sst s4;
	s6 =	sand.u32 $0x1, s6;
	(pc) =	sbr.rel .LBB2_1-.Ltmp0, $4  }
0xd: {  	s9 =	sshll.u32 s9, $0x7;
	s7 =	ssub.s32 $0x2, s6;
	s6 =	sshll.u32 s6, $0x6  }
0xe: {  	s5 =	sadd.s32 $0x400, s5;
	s10 =	sshrl.u32 s7, $0x1;
	s9 =	sor.u32 s6, s9  }
0xf: {  	_ =	strace $0x80000047;
	s10 =	ssub.s32 s7, s10;
	s6 =	sadd.s32 s0, s9  }
0x10: {  	v0 =	vlaneseq.u32;
	s7 =	sadd.s32 s3, s9;
	s8 =	sadd.s32 s8, s9;
	s9 =	smax.u32 s10, $0x1  }
.LBB2_12:
0x11: {  	s22 =	sadd.s32 $0x1, s22  }
0x12: {  	p0 =	sne.s32 s22, s9  }
.Ltmp1:
0x13: {  	_ = 	snop;
	(pc) =	sbr.rel @!p0 .LBB2_13-.Ltmp1, $4  }
0x14: {  	[hbm4b:s8+s4] =	stream.linear.scatter [tilespmem:s20], [sflag:$0x3], $0x200, $0x38;
	[tilespmem:$0x8680] =	vst v63  }
0x15: {  	_ =	swait.ge [sflag:s21], $0x200  }
0x16: {  	[sflag:s21] =	ssyncset.done $0x0  }
0x17: {  	[sflag:s21] =	ssyncadd.s32 $0xFFFFFE00  }
.LBB2_1:
0x18: {  	s0 =	simm.s32 $0x8600  }
0x19: {  	[tilespmem:s0], [sflag:$0x1] =	stream.linear.gather [hbm4b:s5+s4], $0x80, $0x38;
	[tilespmem:$0x8680] =	vst v63  }
0x1a: {  	_ = 	snop  }
0x1b: {  	[tilespmem:s4], [sflag:$0x1] =	stream.linear.gather [hbm4b:s6+s4], $0x200, $0x38;
	[tilespmem:$0x8680] =	vst v63  }
0x1c: {  	_ = 	snop  }
0x1d: {  	[tilespmem:s11], [sflag:$0x1] =	stream.linear.gather [hbm4b:s7+s4], $0x200, $0x38;
	[tilespmem:$0x8680] =	vst v63  }
0x1e: {  	_ =	swait.ge [sflag:s12], $0x80  }
0x1f: {  	[sflag:s12] =	ssyncset.done $0x0  }
0x20: {  	[sflag:s12] =	ssyncadd.s32 $0xFFFFFF80  }
0x21: {  	_ =	swait.ge [sflag:s12], $0x200  }
0x22: {  	[sflag:s12] =	ssyncset.done $0x0  }
0x23: {  	[sflag:s12] =	ssyncadd.s32 $0xFFFFFE00  }
0x24: {  	_ =	swait.ge [sflag:s12], $0x200  }
0x25: {  	[sflag:s12] =	ssyncset.done $0x0  }
0x26: {  	[sflag:s12] =	ssyncadd.s32 $0xFFFFFE00  }
0x27: {  	v1 =	vld [tilespmem:$0x8600];
	[tilespmem:s14], [sflag:$0x1] =	stream.indirect.gather [hbm4b:s1+s13], $0x80, s4, s13, $0xb8  }
0x28: {  	_ = 	snop  }
0x29: {  	[tilespmem:s15], [sflag:$0x1] =	stream.indirect.gather [hbm4b:s2+s13], $0x80, s11, s13, $0xb8;
	[tilespmem:$0x8680] =	vst v63  }
0x2a: {  	_ = 	snop  }
0x2b: {  	[tilespmem:s16], [sflag:$0x2] =	stream.indirect.gather [hbm4b:s1+s13], $0x80, s13, s13, $0xb8;
	[tilespmem:$0x8680] =	vst v63  }
0x2c: {  	s23 =	simm.s32 $0x0  }
0x2d: {  	[tilespmem:s18], [sflag:$0x2] =	stream.indirect.gather [hbm4b:s2+s13], $0x80, s17, s13, $0xb8;
	[tilespmem:$0x8680] =	vst v63  }
.LBB2_2:
0x2e: {  	_ =	swait.ge [sflag:s12], $0x2000  }
0x2f: {  	[sflag:s12] =	ssyncset.done $0x0  }
0x30: {  	s24 =	sshll.u32 s23, $0x7;
	[sflag:s12] =	ssyncadd.s32 $0xFFFFE000  }
0x31: {  	s25 =	sand.u32 $0x3FFFFF80, s24;
	_ =	swait.ge [sflag:s12], $0x2000  }
0x32: {  	s26 =	simm.s32 $0x0;
	s3 =	sadd.s32 $0x8400, s25;
	[sflag:s12] =	ssyncset.done $0x0  }
0x33: {  	s0 =	simm.s32 $0x500;
	s29 =	simm.s32 $0x4500;
	v2 =	vmov s3;
	[sflag:s12] =	ssyncadd.s32 $0xFFFFE000  }
.LBB2_3:
0x34: {  	v5 =	vld [tilespmem:s0+$0xE0]  }
0x35: {  	v3 =	vld [tilespmem:s0+$0x70]  }
0x36: {  	v4 =	vld [tilespmem:s0+$0xD0]  }
0x37: {  	v6 =	vld [tilespmem:s0+$0x60]  }
0x38: {  	v14 =	vld [tilespmem:s0+$0xFFFFFFF0]  }
0x39: {  	v16 =	vld [tilespmem:s29+$0xFFFFFFF0]  }
0x3a: {  	v7 =	vld [tilespmem:s0+$0xC0]  }
0x3b: {  	v8 =	vld [tilespmem:s0+$0x50]  }
0x3c: {  	v19 =	vld [tilespmem:s0+$0xFFFFFFE0]  }
0x3d: {  	v22 =	vld [tilespmem:s29+$0xFFFFFFE0]  }
0x3e: {  	v10 =	vld [tilespmem:s0+$0xB0]  }
0x3f: {  	v20 =	vld [tilespmem:s0+$0xFFFFFF70]  }
0x40: {  	v21 =	vld [tilespmem:s29+$0xFFFFFF70]  }
0x41: {  	v11 =	vld [tilespmem:s0+$0x40]  }
0x42: {  	v24 =	vld [tilespmem:s0+$0xFFFFFFD0]  }
0x43: {  	v25 =	vld [tilespmem:s29+$0xFFFFFFD0]  }
0x44: {  	v12 =	vld [tilespmem:s0+$0xA0]  }
0x45: {  	v27 =	vld [tilespmem:s0+$0xFFFFFF60]  }
0x46: {  	v31 =	vld [tilespmem:s29+$0xFFFFFF60]  }
0x47: {  	v13 =	vld [tilespmem:s0+$0x30]  }
0x48: {  	v28 =	vld [tilespmem:s0+$0xFFFFFFC0]  }
0x49: {  	v32 =	vld [tilespmem:s29+$0xFFFFFFC0]  }
0x4a: {  	v15 =	vld [tilespmem:s0+$0x80]  }
0x4b: {  	v17 =	vld [tilespmem:s29+$0x80]  }
0x4c: {  	v18 =	vld [tilespmem:s0+$0x90]  }
0x4d: {  	v26 =	vld [tilespmem:s0+$0xFFFFFF50]  }
0x4e: {  	v29 =	vld [tilespmem:s29+$0xFFFFFF50]  }
0x4f: {  	v23 =	vld [tilespmem:s0+$0x20]  }
0x50: {  	v30 =	vld [tilespmem:s0+$0xFFFFFFB0]  }
0x51: {  	v36 =	vld [tilespmem:s0+$0xFFFFFF40]  }
0x52: {  	v37 =	vld [tilespmem:s29+$0xFFFFFF40]  }
0x53: {  	v33 =	vld [tilespmem:s0+$0x0]  }
0x54: {  	v34 =	vld [tilespmem:s29+$0x0]  }
0x55: {  	v35 =	vld [tilespmem:s0+$0x10]  }
0x56: {  	v38 =	vld [tilespmem:s0+$0xFFFFFFA0]  }
0x57: {  	v39 =	vld [tilespmem:s0+$0xFFFFFF30]  }
0x58: {  	v40 =	vld [tilespmem:s0+$0xFFFFFF80]  }
0x59: {  	v41 =	vld [tilespmem:s29+$0xFFFFFF80]  }
0x5a: {  	v42 =	vld [tilespmem:s0+$0xFFFFFF90]  }
0x5b: {  	v43 =	vld [tilespmem:s0+$0xFFFFFF00]  }
0x5c: {  	v44 =	vld [tilespmem:s29+$0xFFFFFF00]  }
0x5d: {  	v45 =	vld [tilespmem:s0+$0xFFFFFF10];
	s3 =	simm.s32 $0x4  }
0x5e: {  	v46 =	vld [tilespmem:s29+$0xFFFFFF10];
	s28 =	smov.u32 s0;
	s31 =	smov.u32 s29;
	s30 =	simm.s32 $0x0;
	v9 =	vmov v1  }
.LBB2_4:
0x5f: {  	p0 =	sne.s32 s3, $0xC;
	v47 =	vld [tilespmem:s28+$0xFFFFFF20]  }
0x60: {  	v48 =	vld [tilespmem:s31+$0xFFFFFF20]  }
0x61: {  	v49 =	vld [tilespmem:s31+$0xFFFFFF90]  }
0x62: {  	v19 =	vmul.f32 v22, v19;
	v14 =	vmul.f32 v16, v14;
	v50 =	vld [tilespmem:s31+$0xFFFFFF30]  }
0x63: {  	v16 =	vmul.f32 v44, v43;
	v22 =	vmul.f32 v46, v45;
	v43 =	vld [tilespmem:s31+$0xFFFFFFA0]  }
0x64: {  	v20 =	vmul.f32 v21, v20;
	v21 =	vmul.f32 v25, v24;
	v24 =	vld [tilespmem:s31+$0x10]  }
0x65: {  	v25 =	vmul.f32 v31, v27;
	v16 =	vadd.f32 v22, v16;
	v22 =	vmul.f32 v48, v47;
	v27 =	vld [tilespmem:s31+$0xFFFFFFB0]  }
0x66: {  	v31 =	vmul.f32 v41, v40;
	v40 =	vmul.f32 v49, v42;
	v41 =	vld [tilespmem:s31+$0x20]  }
0x67: {  	v28 =	vmul.f32 v32, v28;
	v16 =	vadd.f32 v22, v16;
	v22 =	vmul.f32 v50, v39;
	v32 =	vld [tilespmem:s31+$0x90]  }
0x68: {  	v36 =	vmul.f32 v37, v36;
	v31 =	vadd.f32 v40, v31;
	v37 =	vmul.f32 v43, v38;
	v38 =	vld [tilespmem:s31+$0x30]  }
0x69: {  	v16 =	vadd.f32 v22, v16;
	v22 =	vmul.f32 v34, v33;
	v24 =	vmul.f32 v24, v35;
	v33 =	vld [tilespmem:s31+$0xA0]  }
0x6a: {  	v26 =	vmul.f32 v29, v26;
	v29 =	vadd.f32 v37, v31;
	v27 =	vmul.f32 v27, v30;
	v30 =	vld [tilespmem:s31+$0x40]  }
0x6b: {  	v16 =	vadd.f32 v36, v16;
	v22 =	vadd.f32 v24, v22;
	v23 =	vmul.f32 v41, v23;
	v24 =	vld [tilespmem:s31+$0xB0]  }
0x6c: {  	v15 =	vmul.f32 v17, v15;
	v27 =	vadd.f32 v27, v29;
	v29 =	vld [tilespmem:s31+$0x50];
	v17 =	vmul.f32 v32, v18  }
0x6d: {  	v16 =	vadd.f32 v26, v16;
	v18 =	vadd.f32 v23, v22;
	v13 =	vmul.f32 v38, v13;
	v22 =	vld [tilespmem:s31+$0xC0]  }
0x6e: {  	v23 =	vadd.f32 v28, v27;
	v26 =	vld [tilespmem:s31+$0x60];
	v15 =	vadd.f32 v17, v15;
	v12 =	vmul.f32 v33, v12  }
0x6f: {  	v16 =	vadd.f32 v25, v16;
	v13 =	vadd.f32 v13, v18;
	v11 =	vmul.f32 v30, v11;
	v17 =	vld [tilespmem:s31+$0xD0]  }
0x70: {  	v18 =	vadd.f32 v21, v23;
	v21 =	vld [tilespmem:s31+$0x70];
	v12 =	vadd.f32 v12, v15;
	v10 =	vmul.f32 v24, v10  }
0x71: {  	v15 =	vadd.f32 v20, v16;
	v11 =	vadd.f32 v11, v13;
	v8 =	vmul.f32 v29, v8;
	v13 =	vld [tilespmem:s31+$0xE0]  }
0x72: {  	v16 =	vadd.f32 v19, v18;
	v10 =	vadd.f32 v10, v12;
	v7 =	vmul.f32 v22, v7;
	v12 =	vld [tilespmem:s28+$0xF0]  }
0x73: {  	s28 =	sadd.s32 $0x200, s28;
	v8 =	vadd.f32 v8, v11;
	v6 =	vmul.f32 v26, v6;
	v11 =	vld [tilespmem:s31+$0xF0];
	(xrf2) =	vadd.scan.msk.f32 $0xffff, v15  }
0x74: {  	v15 =	vld [tilespmem:s28+$0xE0];
	v14 =	vadd.f32 v14, v16;
	v7 =	vadd.f32 v7, v10;
	v10 =	vmul.f32 v17, v4  }
0x75: {  	v8 =	vadd.f32 v6, v8;
	v16 =	vmul.f32 v21, v3;
	v3 =	vld [tilespmem:s28+$0x70]  }
0x76: {  	v4 =	vld [tilespmem:s28+$0xD0];
	v7 =	vadd.f32 v10, v7;
	v13 =	vmul.f32 v13, v5;
	(xrf2) =	vadd.scan.msk.f32 $0xffff, v14  }
0x77: {  	v6 =	vld [tilespmem:s28+$0x60];
	v8 =	vadd.f32 v16, v8  }
0x78: {  	s31 =	sadd.s32 $0x200, s31;
	v14 =	vld [tilespmem:s28+$0xFFFFFFF0];
	v10 =	vadd.f32 v13, v7;
	v11 =	vmul.f32 v11, v12  }
0x79: {  	v16 =	vld [tilespmem:s31+$0xFFFFFFF0];
	(xrf2) =	vadd.scan.msk.f32 $0xffff, v8;
	v5 =	vmov v15  }
0x7a: {  	v7 =	vld [tilespmem:s28+$0xC0];
	v10 =	vadd.f32 v11, v10  }
0x7b: {  	v8 =	vld [tilespmem:s28+$0x50]  }
0x7c: {  	v19 =	vld [tilespmem:s28+$0xFFFFFFE0];
	(xrf2) =	vadd.scan.msk.f32 $0xffff, v10  }
0x7d: {  	v22 =	vld [tilespmem:s31+$0xFFFFFFE0];
	v11, _, _ =	vpop (xrf2)  }
0x7e: {  	v10 =	vld [tilespmem:s28+$0xB0];
	v11 =	vbroadcast v11, $0xF  }
0x7f: {  	v20 =	vld [tilespmem:s28+$0xFFFFFF70]  }
0x80: {  	v12 =	vmov s30;
	v21 =	vld [tilespmem:s31+$0xFFFFFF70];
	v13 =	vadd.f32 v11, v9;
	v15, _, _ =	vpop (xrf2)  }
0x81: {  	vm0 =	veq.s32 v12, v0;
	v11 =	vld [tilespmem:s28+$0x40];
	v12 =	vbroadcast v15, $0xF  }
0x82: {  	s10 =	sadd.s32 $0x1, s30;
	v24 =	vld [tilespmem:s28+$0xFFFFFFD0];
	v9 =	vsel vm0, v13, v9  }
0x83: {  	v13 =	vmov s10;
	v25 =	vld [tilespmem:s31+$0xFFFFFFD0];
	v15 =	vadd.f32 v12, v9;
	v17, _, _ =	vpop (xrf2)  }
0x84: {  	vm0 =	veq.s32 v13, v0;
	v12 =	vld [tilespmem:s28+$0xA0];
	v13 =	vbroadcast v17, $0xF  }
0x85: {  	s10 =	sadd.s32 $0x2, s30;
	v27 =	vld [tilespmem:s28+$0xFFFFFF60];
	v9 =	vsel vm0, v15, v9  }
0x86: {  	v15 =	vmov s10;
	v31 =	vld [tilespmem:s31+$0xFFFFFF60];
	v17 =	vadd.f32 v13, v9;
	v18, _, _ =	vpop (xrf2)  }
0x87: {  	vm0 =	veq.s32 v15, v0;
	v13 =	vld [tilespmem:s28+$0x30];
	v15 =	vbroadcast v18, $0xF  }
0x88: {  	s10 =	sadd.s32 $0x3, s30;
	s30 =	smov.u32 s3;
	v28 =	vld [tilespmem:s28+$0xFFFFFFC0];
	v9 =	vsel vm0, v17, v9  }
0x89: {  	v17 =	vmov s10;
	v32 =	vld [tilespmem:s31+$0xFFFFFFC0];
	v18 =	vadd.f32 v15, v9  }
0x8a: {  	vm0 =	veq.s32 v17, v0;
	v15 =	vld [tilespmem:s28+$0x80]  }
0x8b: {  	v17 =	vld [tilespmem:s31+$0x80];
	v9 =	vsel vm0, v18, v9  }
0x8c: {  	v18 =	vld [tilespmem:s28+$0x90]  }
0x8d: {  	v26 =	vld [tilespmem:s28+$0xFFFFFF50]  }
0x8e: {  	v29 =	vld [tilespmem:s31+$0xFFFFFF50]  }
0x8f: {  	v23 =	vld [tilespmem:s28+$0x20]  }
0x90: {  	v30 =	vld [tilespmem:s28+$0xFFFFFFB0]  }
0x91: {  	v36 =	vld [tilespmem:s28+$0xFFFFFF40]  }
0x92: {  	v37 =	vld [tilespmem:s31+$0xFFFFFF40]  }
0x93: {  	v33 =	vld [tilespmem:s28+$0x0]  }
0x94: {  	v34 =	vld [tilespmem:s31+$0x0]  }
0x95: {  	v35 =	vld [tilespmem:s28+$0x10]  }
0x96: {  	v38 =	vld [tilespmem:s28+$0xFFFFFFA0]  }
0x97: {  	v39 =	vld [tilespmem:s28+$0xFFFFFF30]  }
0x98: {  	v40 =	vld [tilespmem:s28+$0xFFFFFF80]  }
0x99: {  	v41 =	vld [tilespmem:s31+$0xFFFFFF80]  }
.Ltmp2:
0x9a: {  	v42 =	vld [tilespmem:s28+$0xFFFFFF90];
	(pc) =	sbr.rel @p0 .LBB2_4-.Ltmp2, $4  }
0x9b: {  	v43 =	vld [tilespmem:s28+$0xFFFFFF00]  }
0x9c: {  	v44 =	vld [tilespmem:s31+$0xFFFFFF00]  }
0x9d: {  	v45 =	vld [tilespmem:s28+$0xFFFFFF10]  }
0x9e: {  	s3 =	sadd.s32 $0x4, s3;
	v46 =	vld [tilespmem:s31+$0xFFFFFF10]  }
0x9f: {  	v47 =	vld [tilespmem:s28+$0xFFFFFF20]  }
0xa0: {  	v48 =	vld [tilespmem:s31+$0xFFFFFF20]  }
0xa1: {  	v49 =	vld [tilespmem:s31+$0xFFFFFF90]  }
0xa2: {  	v50 =	vld [tilespmem:s31+$0xFFFFFF30];
	v19 =	vmul.f32 v22, v19;
	v14 =	vmul.f32 v16, v14  }
0xa3: {  	v20 =	vmul.f32 v21, v20;
	v51 =	vld [tilespmem:s31+$0x10];
	v53 =	vmul.f32 v31, v27  }
0xa4: {  	v62 =	vmul.f32 v44, v43;
	v63 =	vmul.f32 v46, v45;
	v45 =	vld [tilespmem:s31+$0xFFFFFFA0]  }
0xa5: {  	v54 =	vld [tilespmem:s31+$0xFFFFFFB0];
	v55 =	vmul.f32 v41, v40;
	v28 =	vmul.f32 v32, v28  }
0xa6: {  	v57 =	vld [tilespmem:s31+$0x20];
	v36 =	vmul.f32 v37, v36;
	v52 =	vmul.f32 v48, v47;
	v16 =	vadd.f32 v63, v62  }
0xa7: {  	v59 =	vld [tilespmem:s31+$0x90];
	v46 =	vmul.f32 v25, v24;
	v56 =	vmul.f32 v49, v42  }
0xa8: {  	v61 =	vld [tilespmem:s31+$0x30];
	v58 =	vmul.f32 v50, v39;
	v24 =	vmul.f32 v51, v35;
	v16 =	vadd.f32 v52, v16  }
0xa9: {  	v62 =	vmul.f32 v34, v33;
	v63 =	vld [tilespmem:s31+$0xA0];
	v31 =	vadd.f32 v56, v55;
	v60 =	vmul.f32 v45, v38  }
0xaa: {  	v26 =	vmul.f32 v29, v26;
	v27 =	vmul.f32 v54, v30;
	v35 =	vld [tilespmem:s31+$0x40];
	v16 =	vadd.f32 v58, v16  }
0xab: {  	v37 =	vld [tilespmem:s31+$0xB0];
	v23 =	vmul.f32 v57, v23;
	v22 =	vadd.f32 v24, v62;
	v34 =	vadd.f32 v60, v31  }
0xac: {  	v15 =	vmul.f32 v17, v15;
	v39 =	vld [tilespmem:s31+$0x50];
	v40 =	vmul.f32 v59, v18;
	v16 =	vadd.f32 v36, v16  }
0xad: {  	v13 =	vmul.f32 v61, v13;
	v42 =	vld [tilespmem:s31+$0xC0];
	v41 =	vadd.f32 v23, v22;
	v27 =	vadd.f32 v27, v34  }
0xae: {  	v44 =	vld [tilespmem:s31+$0x60];
	v15 =	vadd.f32 v40, v15;
	v12 =	vmul.f32 v63, v12;
	v16 =	vadd.f32 v26, v16  }
0xaf: {  	v45 =	vld [tilespmem:s31+$0xD0];
	v11 =	vmul.f32 v35, v11;
	v13 =	vadd.f32 v13, v41;
	v43 =	vadd.f32 v28, v27  }
0xb0: {  	v47 =	vld [tilespmem:s31+$0x70];
	v10 =	vmul.f32 v37, v10;
	v12 =	vadd.f32 v12, v15;
	v16 =	vadd.f32 v53, v16  }
0xb1: {  	v49 =	vld [tilespmem:s31+$0xE0];
	v8 =	vmul.f32 v39, v8;
	v11 =	vadd.f32 v11, v13;
	v46 =	vadd.f32 v46, v43  }
0xb2: {  	v51 =	vld [tilespmem:s28+$0xF0];
	v7 =	vmul.f32 v42, v7;
	v10 =	vadd.f32 v10, v12;
	v48 =	vadd.f32 v20, v16  }
0xb3: {  	v6 =	vmul.f32 v44, v6;
	v52 =	vld [tilespmem:s31+$0xF0];
	v50 =	vadd.f32 v19, v46  }
0xb4: {  	v4 =	vmul.f32 v45, v4;
	v8 =	vadd.f32 v8, v11;
	v7 =	vadd.f32 v7, v10;
	(xrf2) =	vadd.scan.msk.f32 $0xffff, v48  }
0xb5: {  	v3 =	vmul.f32 v47, v3;
	v14 =	vadd.f32 v14, v50  }
0xb6: {  	v5 =	vmul.f32 v49, v5;
	v6 =	vadd.f32 v6, v8;
	v4 =	vadd.f32 v4, v7  }
0xb7: {  	(xrf2) =	vadd.scan.msk.f32 $0xffff, v14  }
0xb8: {  	v53 =	vmul.f32 v52, v51;
	v3 =	vadd.f32 v3, v6;
	v4 =	vadd.f32 v5, v4;
	_ =	sdelay $0x1  }
0xb9: {  	(xrf2) =	vadd.scan.msk.f32 $0xffff, v3;
	v3 =	vadd.f32 v53, v4;
	_ =	sdelay $0x2  }
0xba: {  	(xrf2) =	vadd.scan.msk.f32 $0xffff, v3  }
0xbb: {  	v3, _, _ =	vpop (xrf2)  }
0xbc: {  	v3 =	vbroadcast v3, $0xF;
	_ =	sdelay $0x1  }
0xbd: {  	v54 =	vmov s30;
	v3 =	vadd.f32 v3, v9;
	v55, _, _ =	vpop (xrf2)  }
0xbe: {  	vm0 =	veq.s32 v54, v0;
	v56 =	vbroadcast v55, $0xF  }
0xbf: {  	s3 =	sadd.s32 $0x1, s30;
	v3 =	vsel vm0, v3, v9  }
0xc0: {  	v57 =	vmov s3;
	v58, _, _ =	vpop (xrf2);
	v4 =	vadd.f32 v56, v3  }
0xc1: {  	vm13 =	veq.s32 v57, v0;
	v59 =	vbroadcast v58, $0xF  }
0xc2: {  	s28 =	sadd.s32 $0x2, s30;
	v3 =	vsel vm13, v4, v3  }
0xc3: {  	s31 =	sshll.u32 s26, $0x4;
	s26 =	sadd.s32 $0x1, s26;
	v60 =	vmov s28;
	v61, _, _ =	vpop (xrf2);
	v5 =	vadd.f32 v59, v3  }
0xc4: {  	p0 =	sne.s32 s26, $0x4;
	vm14 =	veq.s32 v60, v0;
	v62 =	vbroadcast v61, $0xF  }
.Ltmp3:
0xc5: {  	s30 =	sadd.s32 $0x3, s30;
	v3 =	vsel vm14, v5, v3;
	(pc) =	sbr.rel @p0 .LBB2_3-.Ltmp3, $4  }
0xc6: {  	v63 =	vmov s30;
	v4 =	vadd.f32 v62, v3  }
0xc7: {  	vm15 =	veq.s32 v63, v0  }
0xc8: {  	s3 =	sand.u32 $0x3FFFFFF0, s31;
	v3 =	vsel vm15, v4, v3  }
0xc9: {  	s0 =	sadd.s32 $0x800, s0;
	s29 =	sadd.s32 $0x800, s29;
	[tilespmem:v2+s3+$0x0 ss:$0x1] =	vst.idx.msk $0xffff, v3  }
0xca: {  	p0 =	seq.s32 s23, $0x3  }
0xcb: {  	s0 =	sshll.u32 @!p0 s23, $0x7  }
0xcc: {  	s10 =	simm.s32 @!p0 $0x40;
	s26 =	simm.s32 @!p0 $0x400;
	s3 =	sadd.s32 @!p0 $0x80, s0  }
0xcd: {  	[tilespmem:s26], [sflag:$0x1] =	stream.indirect.gather @!p0 [hbm4b:s1+s10], $0x80, s3, s10, $0xb8;
	[tilespmem:$0x8680] =	vst v63  }
0xce: {  	s0 =	sadd.s32 @!p0 $0x280, s0;
	s3 =	simm.s32 @!p0 $0x4400  }
0xcf: {  	[tilespmem:s3], [sflag:$0x1] =	stream.indirect.gather @!p0 [hbm4b:s2+s10], $0x80, s0, s10, $0xb8;
	[tilespmem:$0x8680] =	vst v63  }
0xd0: {  	_ =	swait.ge [sflag:s19], $0x2000  }
0xd1: {  	[sflag:s19] =	ssyncset.done $0x0  }
0xd2: {  	[sflag:s19] =	ssyncadd.s32 $0xFFFFE000  }
0xd3: {  	_ =	swait.ge [sflag:s19], $0x2000  }
0xd4: {  	s31 =	sadd.s32 $0x8440, s25;
	s25 =	simm.s32 $0x0;
	[sflag:s19] =	ssyncset.done $0x0  }
0xd5: {  	s28 =	simm.s32 $0x6500;
	v2 =	vmov s31;
	s26 =	simm.s32 $0x2500;
	[sflag:s19] =	ssyncadd.s32 $0xFFFFE000  }
.LBB2_7:
0xd6: {  	v5 =	vld [tilespmem:s26+$0xE0]  }
0xd7: {  	v3 =	vld [tilespmem:s26+$0x70]  }
0xd8: {  	v4 =	vld [tilespmem:s26+$0xD0]  }
0xd9: {  	v6 =	vld [tilespmem:s26+$0x60]  }
0xda: {  	v14 =	vld [tilespmem:s26+$0xFFFFFFF0]  }
0xdb: {  	v16 =	vld [tilespmem:s28+$0xFFFFFFF0]  }
0xdc: {  	v7 =	vld [tilespmem:s26+$0xC0]  }
0xdd: {  	v8 =	vld [tilespmem:s26+$0x50]  }
0xde: {  	v19 =	vld [tilespmem:s26+$0xFFFFFFE0]  }
0xdf: {  	v22 =	vld [tilespmem:s28+$0xFFFFFFE0]  }
0xe0: {  	v10 =	vld [tilespmem:s26+$0xB0]  }
0xe1: {  	v20 =	vld [tilespmem:s26+$0xFFFFFF70]  }
0xe2: {  	v21 =	vld [tilespmem:s28+$0xFFFFFF70]  }
0xe3: {  	v11 =	vld [tilespmem:s26+$0x40]  }
0xe4: {  	v24 =	vld [tilespmem:s26+$0xFFFFFFD0]  }
0xe5: {  	v25 =	vld [tilespmem:s28+$0xFFFFFFD0]  }
0xe6: {  	v12 =	vld [tilespmem:s26+$0xA0]  }
0xe7: {  	v27 =	vld [tilespmem:s26+$0xFFFFFF60]  }
0xe8: {  	v31 =	vld [tilespmem:s28+$0xFFFFFF60]  }
0xe9: {  	v13 =	vld [tilespmem:s26+$0x30]  }
0xea: {  	v28 =	vld [tilespmem:s26+$0xFFFFFFC0]  }
0xeb: {  	v32 =	vld [tilespmem:s28+$0xFFFFFFC0]  }
0xec: {  	v15 =	vld [tilespmem:s26+$0x80]  }
0xed: {  	v17 =	vld [tilespmem:s28+$0x80]  }
0xee: {  	v18 =	vld [tilespmem:s26+$0x90]  }
0xef: {  	v26 =	vld [tilespmem:s26+$0xFFFFFF50]  }
0xf0: {  	v29 =	vld [tilespmem:s28+$0xFFFFFF50]  }
0xf1: {  	v23 =	vld [tilespmem:s26+$0x20]  }
0xf2: {  	v30 =	vld [tilespmem:s26+$0xFFFFFFB0]  }
0xf3: {  	v36 =	vld [tilespmem:s26+$0xFFFFFF40]  }
0xf4: {  	v37 =	vld [tilespmem:s28+$0xFFFFFF40]  }
0xf5: {  	v33 =	vld [tilespmem:s26+$0x0]  }
0xf6: {  	v34 =	vld [tilespmem:s28+$0x0]  }
0xf7: {  	v35 =	vld [tilespmem:s26+$0x10]  }
0xf8: {  	v38 =	vld [tilespmem:s26+$0xFFFFFFA0]  }
0xf9: {  	v39 =	vld [tilespmem:s26+$0xFFFFFF30]  }
0xfa: {  	v40 =	vld [tilespmem:s26+$0xFFFFFF80]  }
0xfb: {  	v41 =	vld [tilespmem:s28+$0xFFFFFF80]  }
0xfc: {  	v42 =	vld [tilespmem:s26+$0xFFFFFF90]  }
0xfd: {  	v43 =	vld [tilespmem:s26+$0xFFFFFF00]  }
0xfe: {  	v44 =	vld [tilespmem:s28+$0xFFFFFF00]  }
0xff: {  	v45 =	vld [tilespmem:s26+$0xFFFFFF10];
	s3 =	simm.s32 $0x4  }
0x100: {  	v46 =	vld [tilespmem:s28+$0xFFFFFF10];
	s0 =	smov.u32 s26;
	s30 =	smov.u32 s28;
	s29 =	simm.s32 $0x0;
	v9 =	vmov v1  }
.LBB2_8:
0x101: {  	p1 =	sne.s32 s3, $0xC;
	v47 =	vld [tilespmem:s0+$0xFFFFFF20]  }
0x102: {  	v48 =	vld [tilespmem:s30+$0xFFFFFF20]  }
0x103: {  	v49 =	vld [tilespmem:s30+$0xFFFFFF90]  }
0x104: {  	v19 =	vmul.f32 v22, v19;
	v14 =	vmul.f32 v16, v14;
	v50 =	vld [tilespmem:s30+$0xFFFFFF30]  }
0x105: {  	v16 =	vmul.f32 v44, v43;
	v22 =	vmul.f32 v46, v45;
	v43 =	vld [tilespmem:s30+$0xFFFFFFA0]  }
0x106: {  	v20 =	vmul.f32 v21, v20;
	v21 =	vmul.f32 v25, v24;
	v24 =	vld [tilespmem:s30+$0x10]  }
0x107: {  	v25 =	vmul.f32 v31, v27;
	v16 =	vadd.f32 v22, v16;
	v22 =	vmul.f32 v48, v47;
	v27 =	vld [tilespmem:s30+$0xFFFFFFB0]  }
0x108: {  	v31 =	vmul.f32 v41, v40;
	v40 =	vmul.f32 v49, v42;
	v41 =	vld [tilespmem:s30+$0x20]  }
0x109: {  	v28 =	vmul.f32 v32, v28;
	v16 =	vadd.f32 v22, v16;
	v22 =	vmul.f32 v50, v39;
	v32 =	vld [tilespmem:s30+$0x90]  }
0x10a: {  	v36 =	vmul.f32 v37, v36;
	v31 =	vadd.f32 v40, v31;
	v37 =	vmul.f32 v43, v38;
	v38 =	vld [tilespmem:s30+$0x30]  }
0x10b: {  	v16 =	vadd.f32 v22, v16;
	v22 =	vmul.f32 v34, v33;
	v24 =	vmul.f32 v24, v35;
	v33 =	vld [tilespmem:s30+$0xA0]  }
0x10c: {  	v26 =	vmul.f32 v29, v26;
	v29 =	vadd.f32 v37, v31;
	v27 =	vmul.f32 v27, v30;
	v30 =	vld [tilespmem:s30+$0x40]  }
0x10d: {  	v16 =	vadd.f32 v36, v16;
	v22 =	vadd.f32 v24, v22;
	v23 =	vmul.f32 v41, v23;
	v24 =	vld [tilespmem:s30+$0xB0]  }
0x10e: {  	v15 =	vmul.f32 v17, v15;
	v27 =	vadd.f32 v27, v29;
	v29 =	vld [tilespmem:s30+$0x50];
	v17 =	vmul.f32 v32, v18  }
0x10f: {  	v16 =	vadd.f32 v26, v16;
	v18 =	vadd.f32 v23, v22;
	v13 =	vmul.f32 v38, v13;
	v22 =	vld [tilespmem:s30+$0xC0]  }
0x110: {  	v23 =	vadd.f32 v28, v27;
	v26 =	vld [tilespmem:s30+$0x60];
	v15 =	vadd.f32 v17, v15;
	v12 =	vmul.f32 v33, v12  }
0x111: {  	v16 =	vadd.f32 v25, v16;
	v13 =	vadd.f32 v13, v18;
	v11 =	vmul.f32 v30, v11;
	v17 =	vld [tilespmem:s30+$0xD0]  }
0x112: {  	v18 =	vadd.f32 v21, v23;
	v21 =	vld [tilespmem:s30+$0x70];
	v12 =	vadd.f32 v12, v15;
	v10 =	vmul.f32 v24, v10  }
0x113: {  	v15 =	vadd.f32 v20, v16;
	v11 =	vadd.f32 v11, v13;
	v8 =	vmul.f32 v29, v8;
	v13 =	vld [tilespmem:s30+$0xE0]  }
0x114: {  	v16 =	vadd.f32 v19, v18;
	v10 =	vadd.f32 v10, v12;
	v7 =	vmul.f32 v22, v7;
	v12 =	vld [tilespmem:s0+$0xF0]  }
0x115: {  	s0 =	sadd.s32 $0x200, s0;
	v8 =	vadd.f32 v8, v11;
	v6 =	vmul.f32 v26, v6;
	v11 =	vld [tilespmem:s30+$0xF0];
	(xrf2) =	vadd.scan.msk.f32 $0xffff, v15  }
0x116: {  	v15 =	vld [tilespmem:s0+$0xE0];
	v14 =	vadd.f32 v14, v16;
	v7 =	vadd.f32 v7, v10;
	v10 =	vmul.f32 v17, v4  }
0x117: {  	v8 =	vadd.f32 v6, v8;
	v16 =	vmul.f32 v21, v3;
	v3 =	vld [tilespmem:s0+$0x70]  }
0x118: {  	v4 =	vld [tilespmem:s0+$0xD0];
	v7 =	vadd.f32 v10, v7;
	v13 =	vmul.f32 v13, v5;
	(xrf2) =	vadd.scan.msk.f32 $0xffff, v14  }
0x119: {  	v6 =	vld [tilespmem:s0+$0x60];
	v8 =	vadd.f32 v16, v8  }
0x11a: {  	s30 =	sadd.s32 $0x200, s30;
	v14 =	vld [tilespmem:s0+$0xFFFFFFF0];
	v10 =	vadd.f32 v13, v7;
	v11 =	vmul.f32 v11, v12  }
0x11b: {  	v16 =	vld [tilespmem:s30+$0xFFFFFFF0];
	(xrf2) =	vadd.scan.msk.f32 $0xffff, v8;
	v5 =	vmov v15  }
0x11c: {  	v7 =	vld [tilespmem:s0+$0xC0];
	v10 =	vadd.f32 v11, v10  }
0x11d: {  	v8 =	vld [tilespmem:s0+$0x50]  }
0x11e: {  	v19 =	vld [tilespmem:s0+$0xFFFFFFE0];
	(xrf2) =	vadd.scan.msk.f32 $0xffff, v10  }
0x11f: {  	v22 =	vld [tilespmem:s30+$0xFFFFFFE0];
	v11, _, _ =	vpop (xrf2)  }
0x120: {  	v10 =	vld [tilespmem:s0+$0xB0];
	v11 =	vbroadcast v11, $0xF  }
0x121: {  	v20 =	vld [tilespmem:s0+$0xFFFFFF70]  }
0x122: {  	v12 =	vmov s29;
	v21 =	vld [tilespmem:s30+$0xFFFFFF70];
	v13 =	vadd.f32 v11, v9;
	v15, _, _ =	vpop (xrf2)  }
0x123: {  	vm0 =	veq.s32 v12, v0;
	v11 =	vld [tilespmem:s0+$0x40];
	v12 =	vbroadcast v15, $0xF  }
0x124: {  	s10 =	sadd.s32 $0x1, s29;
	v24 =	vld [tilespmem:s0+$0xFFFFFFD0];
	v9 =	vsel vm0, v13, v9  }
0x125: {  	v13 =	vmov s10;
	v25 =	vld [tilespmem:s30+$0xFFFFFFD0];
	v15 =	vadd.f32 v12, v9;
	v17, _, _ =	vpop (xrf2)  }
0x126: {  	vm0 =	veq.s32 v13, v0;
	v12 =	vld [tilespmem:s0+$0xA0];
	v13 =	vbroadcast v17, $0xF  }
0x127: {  	s10 =	sadd.s32 $0x2, s29;
	v27 =	vld [tilespmem:s0+$0xFFFFFF60];
	v9 =	vsel vm0, v15, v9  }
0x128: {  	v15 =	vmov s10;
	v31 =	vld [tilespmem:s30+$0xFFFFFF60];
	v17 =	vadd.f32 v13, v9;
	v18, _, _ =	vpop (xrf2)  }
0x129: {  	vm0 =	veq.s32 v15, v0;
	v13 =	vld [tilespmem:s0+$0x30];
	v15 =	vbroadcast v18, $0xF  }
0x12a: {  	s10 =	sadd.s32 $0x3, s29;
	s29 =	smov.u32 s3;
	v28 =	vld [tilespmem:s0+$0xFFFFFFC0];
	v9 =	vsel vm0, v17, v9  }
0x12b: {  	v17 =	vmov s10;
	v32 =	vld [tilespmem:s30+$0xFFFFFFC0];
	v18 =	vadd.f32 v15, v9  }
0x12c: {  	vm0 =	veq.s32 v17, v0;
	v15 =	vld [tilespmem:s0+$0x80]  }
0x12d: {  	v17 =	vld [tilespmem:s30+$0x80];
	v9 =	vsel vm0, v18, v9  }
0x12e: {  	v18 =	vld [tilespmem:s0+$0x90]  }
0x12f: {  	v26 =	vld [tilespmem:s0+$0xFFFFFF50]  }
0x130: {  	v29 =	vld [tilespmem:s30+$0xFFFFFF50]  }
0x131: {  	v23 =	vld [tilespmem:s0+$0x20]  }
0x132: {  	v30 =	vld [tilespmem:s0+$0xFFFFFFB0]  }
0x133: {  	v36 =	vld [tilespmem:s0+$0xFFFFFF40]  }
0x134: {  	v37 =	vld [tilespmem:s30+$0xFFFFFF40]  }
0x135: {  	v33 =	vld [tilespmem:s0+$0x0]  }
0x136: {  	v34 =	vld [tilespmem:s30+$0x0]  }
0x137: {  	v35 =	vld [tilespmem:s0+$0x10]  }
0x138: {  	v38 =	vld [tilespmem:s0+$0xFFFFFFA0]  }
0x139: {  	v39 =	vld [tilespmem:s0+$0xFFFFFF30]  }
0x13a: {  	v40 =	vld [tilespmem:s0+$0xFFFFFF80]  }
0x13b: {  	v41 =	vld [tilespmem:s30+$0xFFFFFF80]  }
.Ltmp4:
0x13c: {  	v42 =	vld [tilespmem:s0+$0xFFFFFF90];
	(pc) =	sbr.rel @p1 .LBB2_8-.Ltmp4, $4  }
0x13d: {  	v43 =	vld [tilespmem:s0+$0xFFFFFF00]  }
0x13e: {  	v44 =	vld [tilespmem:s30+$0xFFFFFF00]  }
0x13f: {  	v45 =	vld [tilespmem:s0+$0xFFFFFF10]  }
0x140: {  	s3 =	sadd.s32 $0x4, s3;
	v46 =	vld [tilespmem:s30+$0xFFFFFF10]  }
0x141: {  	v47 =	vld [tilespmem:s0+$0xFFFFFF20]  }
0x142: {  	v48 =	vld [tilespmem:s30+$0xFFFFFF20]  }
0x143: {  	v49 =	vld [tilespmem:s30+$0xFFFFFF90]  }
0x144: {  	v50 =	vld [tilespmem:s30+$0xFFFFFF30];
	v19 =	vmul.f32 v22, v19;
	v14 =	vmul.f32 v16, v14  }
0x145: {  	v20 =	vmul.f32 v21, v20;
	v51 =	vld [tilespmem:s30+$0x10];
	v53 =	vmul.f32 v31, v27  }
0x146: {  	v62 =	vmul.f32 v44, v43;
	v63 =	vmul.f32 v46, v45;
	v45 =	vld [tilespmem:s30+$0xFFFFFFA0]  }
0x147: {  	v54 =	vld [tilespmem:s30+$0xFFFFFFB0];
	v55 =	vmul.f32 v41, v40;
	v28 =	vmul.f32 v32, v28  }
0x148: {  	v57 =	vld [tilespmem:s30+$0x20];
	v36 =	vmul.f32 v37, v36;
	v52 =	vmul.f32 v48, v47;
	v16 =	vadd.f32 v63, v62  }
0x149: {  	v59 =	vld [tilespmem:s30+$0x90];
	v46 =	vmul.f32 v25, v24;
	v56 =	vmul.f32 v49, v42  }
0x14a: {  	v61 =	vld [tilespmem:s30+$0x30];
	v58 =	vmul.f32 v50, v39;
	v24 =	vmul.f32 v51, v35;
	v16 =	vadd.f32 v52, v16  }
0x14b: {  	v62 =	vmul.f32 v34, v33;
	v63 =	vld [tilespmem:s30+$0xA0];
	v31 =	vadd.f32 v56, v55;
	v60 =	vmul.f32 v45, v38  }
0x14c: {  	v26 =	vmul.f32 v29, v26;
	v27 =	vmul.f32 v54, v30;
	v35 =	vld [tilespmem:s30+$0x40];
	v16 =	vadd.f32 v58, v16  }
0x14d: {  	v37 =	vld [tilespmem:s30+$0xB0];
	v23 =	vmul.f32 v57, v23;
	v22 =	vadd.f32 v24, v62;
	v34 =	vadd.f32 v60, v31  }
0x14e: {  	v15 =	vmul.f32 v17, v15;
	v39 =	vld [tilespmem:s30+$0x50];
	v40 =	vmul.f32 v59, v18;
	v16 =	vadd.f32 v36, v16  }
0x14f: {  	v13 =	vmul.f32 v61, v13;
	v42 =	vld [tilespmem:s30+$0xC0];
	v41 =	vadd.f32 v23, v22;
	v27 =	vadd.f32 v27, v34  }
0x150: {  	v44 =	vld [tilespmem:s30+$0x60];
	v15 =	vadd.f32 v40, v15;
	v12 =	vmul.f32 v63, v12;
	v16 =	vadd.f32 v26, v16  }
0x151: {  	v45 =	vld [tilespmem:s30+$0xD0];
	v11 =	vmul.f32 v35, v11;
	v13 =	vadd.f32 v13, v41;
	v43 =	vadd.f32 v28, v27  }
0x152: {  	v47 =	vld [tilespmem:s30+$0x70];
	v10 =	vmul.f32 v37, v10;
	v12 =	vadd.f32 v12, v15;
	v16 =	vadd.f32 v53, v16  }
0x153: {  	v49 =	vld [tilespmem:s30+$0xE0];
	v8 =	vmul.f32 v39, v8;
	v11 =	vadd.f32 v11, v13;
	v46 =	vadd.f32 v46, v43  }
0x154: {  	v51 =	vld [tilespmem:s0+$0xF0];
	v7 =	vmul.f32 v42, v7;
	v10 =	vadd.f32 v10, v12;
	v48 =	vadd.f32 v20, v16  }
0x155: {  	v6 =	vmul.f32 v44, v6;
	v52 =	vld [tilespmem:s30+$0xF0];
	v50 =	vadd.f32 v19, v46  }
0x156: {  	v4 =	vmul.f32 v45, v4;
	v8 =	vadd.f32 v8, v11;
	v7 =	vadd.f32 v7, v10;
	(xrf2) =	vadd.scan.msk.f32 $0xffff, v48  }
0x157: {  	v3 =	vmul.f32 v47, v3;
	v14 =	vadd.f32 v14, v50  }
0x158: {  	v5 =	vmul.f32 v49, v5;
	v6 =	vadd.f32 v6, v8;
	v4 =	vadd.f32 v4, v7  }
0x159: {  	(xrf2) =	vadd.scan.msk.f32 $0xffff, v14  }
0x15a: {  	v53 =	vmul.f32 v52, v51;
	v3 =	vadd.f32 v3, v6;
	v4 =	vadd.f32 v5, v4;
	_ =	sdelay $0x1  }
0x15b: {  	(xrf2) =	vadd.scan.msk.f32 $0xffff, v3;
	v3 =	vadd.f32 v53, v4;
	_ =	sdelay $0x2  }
0x15c: {  	(xrf2) =	vadd.scan.msk.f32 $0xffff, v3  }
0x15d: {  	v3, _, _ =	vpop (xrf2)  }
0x15e: {  	v3 =	vbroadcast v3, $0xF;
	_ =	sdelay $0x1  }
0x15f: {  	v54 =	vmov s29;
	v3 =	vadd.f32 v3, v9;
	v55, _, _ =	vpop (xrf2)  }
0x160: {  	vm0 =	veq.s32 v54, v0;
	v56 =	vbroadcast v55, $0xF  }
0x161: {  	s3 =	sadd.s32 $0x1, s29;
	v3 =	vsel vm0, v3, v9  }
0x162: {  	v57 =	vmov s3;
	v58, _, _ =	vpop (xrf2);
	v4 =	vadd.f32 v56, v3  }
0x163: {  	vm13 =	veq.s32 v57, v0;
	v59 =	vbroadcast v58, $0xF  }
0x164: {  	s10 =	sadd.s32 $0x2, s29;
	v3 =	vsel vm13, v4, v3  }
0x165: {  	s31 =	sshll.u32 s25, $0x4;
	s25 =	sadd.s32 $0x1, s25;
	v60 =	vmov s10;
	v61, _, _ =	vpop (xrf2);
	v5 =	vadd.f32 v59, v3  }
0x166: {  	p1 =	sne.s32 s25, $0x4;
	vm14 =	veq.s32 v60, v0;
	v62 =	vbroadcast v61, $0xF  }
.Ltmp5:
0x167: {  	s30 =	sadd.s32 $0x3, s29;
	v3 =	vsel vm14, v5, v3;
	(pc) =	sbr.rel @p1 .LBB2_7-.Ltmp5, $4  }
0x168: {  	v63 =	vmov s30;
	v4 =	vadd.f32 v62, v3  }
0x169: {  	vm15 =	veq.s32 v63, v0  }
0x16a: {  	s0 =	sand.u32 $0x3FFFFFF0, s31;
	v3 =	vsel vm15, v4, v3  }
0x16b: {  	s26 =	sadd.s32 $0x800, s26;
	s28 =	sadd.s32 $0x800, s28;
	[tilespmem:v2+s0+$0x0 ss:$0x1] =	vst.idx.msk $0xffff, v3  }
.Ltmp6:
0x16c: {  	(pc) =	sbr.rel @p0 .LBB2_12-.Ltmp6, $1  }
0x16d: {  	_ =	sdelay $0x3  }
.Ltmp7:
0x16e: {  	(pc) =	sbr.rel .LBB2_2-.Ltmp7, $4  }
0x16f: {  	s0 =	sadd.s32 $0xC0, s24  }
0x170: {  	[tilespmem:s16], [sflag:$0x2] =	stream.indirect.gather [hbm4b:s1+s13], $0x80, s0, s13, $0xb8;
	[tilespmem:$0x8680] =	vst v63  }
0x171: {  	s31 =	sadd.s32 $0x2C0, s24;
	s23 =	sadd.s32 $0x1, s23  }
0x172: {  	[tilespmem:s18], [sflag:$0x2] =	stream.indirect.gather [hbm4b:s2+s13], $0x80, s31, s13, $0xb8;
	[tilespmem:$0x8680] =	vst v63  }
.LBB2_13:
0x173: {  	_ =	sfence.sel $0x180000  }
0x174: {  	[bflag:$0x0] =	sbarrier.arrive $0xFFFF  }
0x175: {  	_ =	strace $0x90000047  }
0x176: {  	s0 =	stileid.u32;
	[bflag:$0x2] =	sbarrier.arrive $0xFFFF  }
0x177: {  	p0 =	sne.s32 s0, $0x0;
	s0 =	rddreg [dreg:$0x6]  }
0x178: {  	s0 =	sadd.s32 @!p0 $0x100000, s0  }
0x179: {  	[sflag:s0] =	ssyncadd.tile.s32 @!p0 $0x1;
	_ =	shalt  }
.Lfunc_end2:
_tile_overlayer_lowered:
.L_overlay_start_2:
0x17a: {  	(tag) =	ssettag $0x2  }
0x17b: {  	s0 =	rddreg [dreg:$0x0];
	s2 =	stileid.u32  }
0x17c: {  	s1 =	rddreg [dreg:$0x1];
	p0 =	sne.s32 s2, $0x0  }
0x17d: {  	s3 =	rddreg [dreg:$0x2];
	[bflag:$0x3] =	sbarrier.arrive $0xFFFF;
	s2 =	simm.s32 @!p0 $0x1C03  }
0x17e: {  	[timem:s3], [sflag:s2] =	dma.local @!p0 [hbm:s0], s1  }
0x17f: {  	s0 =	simm.s32 @!p0 $0x3  }
0x180: {  	_ =	swait.ge @!p0 [sflag:s0], s1  }
0x181: {  	s1 =	ssub.s32 @!p0 $0x0, s1;
	[sflag:s0] =	ssyncset.done @!p0 $0x0  }
0x182: {  	[sflag:s0] =	ssyncadd.s32 @!p0 s1  }
0x183: {  	[bflag:$0x3] =	sbarrier.arrive $0xFFFF  }
0x184: {  	_ =	shalt  }

</sc_bundles>
